<compile_context>
chip_gen: v7x
topology: tpu7x:2x2x1
jax: 0.10.2.dev20260603
libtpu: 0.0.44.dev20260713+nightly
codegen_flags: <defaults>
</compile_context>

<pallas_src>
import functools

import jax
import jax.numpy as jnp
from jax import lax
from jax.experimental import pallas as pl
from jax.experimental.pallas import tpu as pltpu
from jax.experimental.pallas import tpu_sc as plsc

NC = 2
NS = 16
NW = NC * NS
CH = 128
K0_FRAC = 0.60


def _spmm_sc(z, src_t, dst_t, zeros_slab, n1, k0, k1):
    d = z.shape[1]
    rt = n1 // NS
    kmax = src_t.shape[1]

    mesh = plsc.VectorSubcoreMesh(core_axis_name="c", subcore_axis_name="s")

    @functools.partial(
        pl.kernel,
        out_type=jax.ShapeDtypeStruct((NC, n1, d), jnp.float32),
        mesh=mesh,
        scratch_types=[
            pltpu.VMEM((kmax, CH), jnp.int32),
            pltpu.VMEM((kmax, CH), jnp.int32),
            pltpu.VMEM((CH, d), jnp.float32),
            pltpu.VMEM_SHARED((n1, d), jnp.float32),
        ],
    )
    def spmm(z_hbm, src_hbm, dst_hbm, zeros_hbm, out_hbm,
             idx_s, idx_d, buf, acc):
        c = lax.axis_index("c")
        s = lax.axis_index("s")
        w = s * NC + c
        my_k = jnp.where(c == 0, k0, k1)

        pltpu.sync_copy(zeros_hbm, acc.at[pl.ds(s * rt, rt)])
        pltpu.sync_copy(src_hbm.at[w], idx_s)
        pltpu.sync_copy(dst_hbm.at[w], idx_d)
        plsc.subcore_barrier()

        def body(j, carry):
            pltpu.sync_copy(z_hbm.at[idx_s.at[j]], buf)
            pltpu.sync_copy(buf, acc.at[idx_d.at[j]], add=True)
            return carry

        lax.fori_loop(0, my_k, body, 0)
        plsc.subcore_barrier()
        pltpu.sync_copy(acc.at[pl.ds(s * rt, rt)],
                        out_hbm.at[c, pl.ds(s * rt, rt)])

    return spmm(z, src_t, dst_t, zeros_slab)


def _dense_layer(parts, w_mat, bias, skip, block_rows=1264):
    n1, d = parts.shape[1], parts.shape[2]
    grid = n1 // block_rows
    has_skip = skip is not None

    def body(p_ref, w_ref, b_ref, *rest):
        if has_skip:
            skip_ref, out_ref = rest
        else:
            (out_ref,) = rest
        agg = p_ref[0] + p_ref[1]
        h = jnp.maximum(
            jnp.dot(agg, w_ref[...], preferred_element_type=jnp.float32)
            + b_ref[...], 0.0)
        if has_skip:
            h = h + skip_ref[...]
        out_ref[...] = h

    in_specs = [
        pl.BlockSpec((NC, block_rows, d), lambda i: (0, i, 0)),
        pl.BlockSpec((d, d), lambda i: (0, 0)),
        pl.BlockSpec((1, d), lambda i: (0, 0)),
    ]
    args = [parts, w_mat, bias.reshape(1, d)]
    if has_skip:
        in_specs.append(pl.BlockSpec((block_rows, d), lambda i: (i, 0)))
        args.append(skip)

    return pl.pallas_call(
        body,
        grid=(grid,),
        in_specs=in_specs,
        out_specs=pl.BlockSpec((block_rows, d), lambda i: (i, 0)),
        out_shape=jax.ShapeDtypeStruct((n1, d), jnp.float32),
    )(*args)


def _layer_norm(h, gamma, beta, block_rows=1000):
    n, d = h.shape
    grid = n // block_rows

    def body(h_ref, g_ref, b_ref, out_ref):
        x = h_ref[...]
        mu = jnp.mean(x, axis=1, keepdims=True)
        var = jnp.mean((x - mu) ** 2, axis=1, keepdims=True)
        out_ref[...] = (x - mu) * lax.rsqrt(var + 1e-5) * g_ref[...] + b_ref[...]

    return pl.pallas_call(
        body,
        grid=(grid,),
        in_specs=[
            pl.BlockSpec((block_rows, d), lambda i: (i, 0)),
            pl.BlockSpec((1, d), lambda i: (0, 0)),
            pl.BlockSpec((1, d), lambda i: (0, 0)),
        ],
        out_specs=pl.BlockSpec((block_rows, d), lambda i: (i, 0)),
        out_shape=jax.ShapeDtypeStruct((n, d), jnp.float32),
    )(h, gamma.reshape(1, d), beta.reshape(1, d))


def kernel(feat, edge_index, W0, b0, Ws, bs, W1, b1, gamma, beta):
    n, d = feat.shape
    e = edge_index.shape[1]

    n1 = -(-(n + 1) // 1264) * 1264

    kt = -(-e // (NS * CH))
    k0 = int(kt * K0_FRAC + 0.5)
    k1 = kt - k0
    kmax = max(k0, k1)

    src = edge_index[0]
    dst = edge_index[1]
    pad = NS * kt * CH - e
    src_p = jnp.concatenate([src, jnp.zeros((pad,), jnp.int32)])
    dst_p = jnp.concatenate([dst, jnp.full((pad,), n, jnp.int32)])

    def split(flat, fill):
        per_tile = flat.reshape(NS, kt, CH)
        c0 = per_tile[:, :k0]
        c1 = per_tile[:, k0:]
        if k0 < kmax:
            c0 = jnp.concatenate(
                [c0, jnp.full((NS, kmax - k0, CH), fill, jnp.int32)], axis=1)
        if k1 < kmax:
            c1 = jnp.concatenate(
                [c1, jnp.full((NS, kmax - k1, CH), fill, jnp.int32)], axis=1)
        return jnp.stack([c0, c1], axis=1).reshape(NW, kmax, CH)

    src_t = split(src_p, 0)
    dst_t = split(dst_p, n)
    zeros_slab = jnp.zeros((n1 // NS, d), jnp.float32)

    parts = _spmm_sc(feat, src_t, dst_t, zeros_slab, n1, k0, k1)
    h = _dense_layer(parts, W0, b0, None)
    for _ in range(3):
        parts = _spmm_sc(h, src_t, dst_t, zeros_slab, n1, k0, k1)
        h = _dense_layer(parts, Ws, bs, h)
    parts = _spmm_sc(h, src_t, dst_t, zeros_slab, n1, k0, k1)
    h = _dense_layer(parts, W1, b1, None)
    return _layer_norm(h[:n], gamma, beta)

# --- scband reference (transcript-rebuilt; emitter-appended) ---
"""Pipeline reference for scband-base-module-89704686944726 (READ-ONLY COPY).

The authoritative reference and input builder live on the scoring server;
editing this copy changes nothing except your own understanding.
"""

import jax, jax.numpy as jnp
import numpy as np

N = 10000
E = 320000
D = 128
NUM_LAYERS = 3


def setup_inputs(seed: int = 0) -> dict:
    key = jax.random.key(seed)
    ks = jax.random.split(key, 12)
    feat = jax.random.normal(ks[0], (N, D), dtype=jnp.float32)
    edge_index = jax.random.randint(ks[1], (2, E), 0, N, dtype=jnp.int32)
    s = 1.0 / np.sqrt(D)
    W0 = jax.random.normal(ks[2], (D, D), dtype=jnp.float32) * s
    b0 = jnp.zeros((D,), dtype=jnp.float32)
    # layer_s is the SAME module repeated num_layers times -> shared weights
    Ws = jax.random.normal(ks[3], (D, D), dtype=jnp.float32) * s
    bs = jnp.zeros((D,), dtype=jnp.float32)
    W1 = jax.random.normal(ks[4], (D, D), dtype=jnp.float32) * s
    b1 = jnp.zeros((D,), dtype=jnp.float32)
    gamma = jnp.ones((D,), dtype=jnp.float32)
    beta = jnp.zeros((D,), dtype=jnp.float32)
    return {"feat": feat, "edge_index": edge_index, "W0": W0, "b0": b0,
            "Ws": Ws, "bs": bs, "W1": W1, "b1": b1, "gamma": gamma, "beta": beta}


def _conv(x, W, b, src, dst, n_nodes):
    # message passing: gather neighbor features along edges, scatter-add to dst,
    # then linear transform + activation (ConvLayer with relu activation)
    m = jnp.take(x, src, axis=0)
    agg = jnp.zeros((n_nodes, x.shape[1]), dtype=x.dtype).at[dst].add(m)
    return jax.nn.relu(agg @ W + b)


def reference(feat, edge_index, W0, b0, Ws, bs, W1, b1, gamma, beta):
    src = edge_index[0]
    dst = edge_index[1]
    n_nodes = feat.shape[0]
    # layer_0: in_Irreps -> mid_Irreps
    h = _conv(feat, W0, b0, src, dst, n_nodes)
    # layer_s: num_layers shared layers with skip connections (graph reused, same radius)
    for _ in range(NUM_LAYERS):
        h0 = h
        h = _conv(h, Ws, bs, src, dst, n_nodes)
        h = h + h0
    # layer_1: mid_Irreps -> out_Irreps
    h = _conv(h, W1, b1, src, dst, n_nodes)
    # LayerNorm on out_Irreps
    mean = jnp.mean(h, axis=-1, keepdims=True)
    var = jnp.var(h, axis=-1, keepdims=True)
    out = (h - mean) / jnp.sqrt(var + 1e-5) * gamma + beta
    return out

if __name__ == "__main__":
    import jax
    _d = setup_inputs()
    print(jax.jit(kernel)(*tuple(_d.values())))

</pallas_src>

<mosaic_0001>
#map = affine_map<(d0, d1) -> (0, 0)>
#map1 = affine_map<(d0, d1) -> (0, 0, 0)>
module attributes {stable_mosaic.version = 14 : i64} {
  func.func @spmm(%arg0: i32, %arg1: i32, %arg2: memref<10112x128xf32, #tpu.memory_space<hbm>>, %arg3: memref<32x94x128xi32, #tpu.memory_space<hbm>>, %arg4: memref<32x94x128xi32, #tpu.memory_space<hbm>>, %arg5: memref<632x128xf32, #tpu.memory_space<hbm>>, %arg6: memref<2x10112x128xf32, #tpu.memory_space<hbm>>, %arg7: memref<94x128xi32, #tpu.memory_space<vmem>>, %arg8: memref<94x128xi32, #tpu.memory_space<vmem>>, %arg9: memref<128x128xf32, #tpu.memory_space<vmem>>, %arg10: memref<10112x128xf32, #tpu.memory_space<vmem_shared>>) attributes {dimension_semantics = [#tpu.dimension_semantics<core_parallel>, #tpu.dimension_semantics<subcore_parallel>], iteration_bounds = array<i64: 2, 16>, scalar_prefetch = 0 : i64, scratch_operands = 4 : i64, tpu.core_type = #tpu.core_type<sc_vector_subcore>, window_params = [{transform_indices = #map}, {transform_indices = #map1}, {transform_indices = #map1}, {transform_indices = #map}, {transform_indices = #map1}]} {
    %mul3A = arith.constant 2 : i32
    %mul3A_0 = arith.muli %arg1, %mul3A : i32
    %add3A = arith.addi %mul3A_0, %arg0 : i32
    %eq3A = arith.constant 0 : i32
    %eq3A_1 = arith.cmpi eq, %arg0, %eq3A : i32
    %jit3A = arith.constant 94 : i32
    %jit3A_2 = arith.constant 63 : i32
    %select_n3A = arith.select %eq3A_1, %jit3A, %jit3A_2 : i32
    %mul3A_3 = arith.constant 632 : i32
    %mul3A_4 = arith.muli %arg1, %mul3A_3 : i32
    "tpu.region"() ({
      %run_scoped3A = tpu.sem_alloc : memref<!tpu.dma_semaphore, #tpu.memory_space<semaphore_mem>>
      %dma_start3A = arith.constant 0 : i32
      %dma_start3A_19 = tpu.memref_slice %arg10[%mul3A_4, %dma_start3A] : memref<10112x128xf32, #tpu.memory_space<vmem_shared>> -> memref<632x128xf32, #tpu.memory_space<vmem_shared>>
      tpu.enqueue_dma source(%arg5 : memref<632x128xf32, #tpu.memory_space<hbm>>) target(%dma_start3A_19 : memref<632x128xf32, #tpu.memory_space<vmem_shared>>) target_semaphore(%run_scoped3A : memref<!tpu.dma_semaphore, #tpu.memory_space<semaphore_mem>>)
      %dma_wait3A = arith.constant 0 : i32
      %dma_wait3A_20 = tpu.memref_slice %arg10[%mul3A_4, %dma_wait3A] : memref<10112x128xf32, #tpu.memory_space<vmem_shared>> -> memref<632x128xf32, #tpu.memory_space<vmem_shared>>
      tpu.wait_dma2 semaphore(%run_scoped3A : memref<!tpu.dma_semaphore, #tpu.memory_space<semaphore_mem>>) src(%arg5 : memref<632x128xf32, #tpu.memory_space<hbm>>) dst(%dma_wait3A_20 : memref<632x128xf32, #tpu.memory_space<vmem_shared>>)
      tpu.yield
    }) : () -> ()
    "tpu.region"() ({
      %run_scoped3A = tpu.sem_alloc : memref<!tpu.dma_semaphore, #tpu.memory_space<semaphore_mem>>
      %dma_start3A = arith.constant 0 : i32
      %dma_start3A_19 = arith.constant 0 : i32
      %dma_start3A_20 = tpu.memref_slice %arg3[%add3A, %dma_start3A, %dma_start3A_19] : memref<32x94x128xi32, #tpu.memory_space<hbm>> -> memref<1x94x128xi32, #tpu.memory_space<hbm>>
      %dma_start3A_21 = tpu.memref_squeeze %dma_start3A_20 : memref<1x94x128xi32, #tpu.memory_space<hbm>> -> memref<94x128xi32, #tpu.memory_space<hbm>>
      %dma_start3A_22 = arith.constant 0 : i32
      %dma_start3A_23 = arith.constant 0 : i32
      %dma_start3A_24 = tpu.memref_slice %arg3[%add3A, %dma_start3A_22, %dma_start3A_23] : memref<32x94x128xi32, #tpu.memory_space<hbm>> -> memref<1x94x128xi32, #tpu.memory_space<hbm>>
      %dma_start3A_25 = tpu.memref_squeeze %dma_start3A_24 : memref<1x94x128xi32, #tpu.memory_space<hbm>> -> memref<94x128xi32, #tpu.memory_space<hbm>>
      tpu.enqueue_dma source(%dma_start3A_25 : memref<94x128xi32, #tpu.memory_space<hbm>>) target(%arg7 : memref<94x128xi32, #tpu.memory_space<vmem>>) target_semaphore(%run_scoped3A : memref<!tpu.dma_semaphore, #tpu.memory_space<semaphore_mem>>)
      %dma_wait3A = arith.constant 0 : i32
      %dma_wait3A_26 = arith.constant 0 : i32
      %dma_wait3A_27 = tpu.memref_slice %arg3[%add3A, %dma_wait3A, %dma_wait3A_26] : memref<32x94x128xi32, #tpu.memory_space<hbm>> -> memref<1x94x128xi32, #tpu.memory_space<hbm>>
      %dma_wait3A_28 = tpu.memref_squeeze %dma_wait3A_27 : memref<1x94x128xi32, #tpu.memory_space<hbm>> -> memref<94x128xi32, #tpu.memory_space<hbm>>
      %dma_wait3A_29 = arith.constant 0 : i32
      %dma_wait3A_30 = arith.constant 0 : i32
      %dma_wait3A_31 = tpu.memref_slice %arg3[%add3A, %dma_wait3A_29, %dma_wait3A_30] : memref<32x94x128xi32, #tpu.memory_space<hbm>> -> memref<1x94x128xi32, #tpu.memory_space<hbm>>
      %dma_wait3A_32 = tpu.memref_squeeze %dma_wait3A_31 : memref<1x94x128xi32, #tpu.memory_space<hbm>> -> memref<94x128xi32, #tpu.memory_space<hbm>>
      tpu.wait_dma2 semaphore(%run_scoped3A : memref<!tpu.dma_semaphore, #tpu.memory_space<semaphore_mem>>) src(%dma_wait3A_32 : memref<94x128xi32, #tpu.memory_space<hbm>>) dst(%arg7 : memref<94x128xi32, #tpu.memory_space<vmem>>)
      tpu.yield
    }) : () -> ()
    "tpu.region"() ({
      %run_scoped3A = tpu.sem_alloc : memref<!tpu.dma_semaphore, #tpu.memory_space<semaphore_mem>>
      %dma_start3A = arith.constant 0 : i32
      %dma_start3A_19 = arith.constant 0 : i32
      %dma_start3A_20 = tpu.memref_slice %arg4[%add3A, %dma_start3A, %dma_start3A_19] : memref<32x94x128xi32, #tpu.memory_space<hbm>> -> memref<1x94x128xi32, #tpu.memory_space<hbm>>
      %dma_start3A_21 = tpu.memref_squeeze %dma_start3A_20 : memref<1x94x128xi32, #tpu.memory_space<hbm>> -> memref<94x128xi32, #tpu.memory_space<hbm>>
      %dma_start3A_22 = arith.constant 0 : i32
      %dma_start3A_23 = arith.constant 0 : i32
      %dma_start3A_24 = tpu.memref_slice %arg4[%add3A, %dma_start3A_22, %dma_start3A_23] : memref<32x94x128xi32, #tpu.memory_space<hbm>> -> memref<1x94x128xi32, #tpu.memory_space<hbm>>
      %dma_start3A_25 = tpu.memref_squeeze %dma_start3A_24 : memref<1x94x128xi32, #tpu.memory_space<hbm>> -> memref<94x128xi32, #tpu.memory_space<hbm>>
      tpu.enqueue_dma source(%dma_start3A_25 : memref<94x128xi32, #tpu.memory_space<hbm>>) target(%arg8 : memref<94x128xi32, #tpu.memory_space<vmem>>) target_semaphore(%run_scoped3A : memref<!tpu.dma_semaphore, #tpu.memory_space<semaphore_mem>>)
      %dma_wait3A = arith.constant 0 : i32
      %dma_wait3A_26 = arith.constant 0 : i32
      %dma_wait3A_27 = tpu.memref_slice %arg4[%add3A, %dma_wait3A, %dma_wait3A_26] : memref<32x94x128xi32, #tpu.memory_space<hbm>> -> memref<1x94x128xi32, #tpu.memory_space<hbm>>
      %dma_wait3A_28 = tpu.memref_squeeze %dma_wait3A_27 : memref<1x94x128xi32, #tpu.memory_space<hbm>> -> memref<94x128xi32, #tpu.memory_space<hbm>>
      %dma_wait3A_29 = arith.constant 0 : i32
      %dma_wait3A_30 = arith.constant 0 : i32
      %dma_wait3A_31 = tpu.memref_slice %arg4[%add3A, %dma_wait3A_29, %dma_wait3A_30] : memref<32x94x128xi32, #tpu.memory_space<hbm>> -> memref<1x94x128xi32, #tpu.memory_space<hbm>>
      %dma_wait3A_32 = tpu.memref_squeeze %dma_wait3A_31 : memref<1x94x128xi32, #tpu.memory_space<hbm>> -> memref<94x128xi32, #tpu.memory_space<hbm>>
      tpu.wait_dma2 semaphore(%run_scoped3A : memref<!tpu.dma_semaphore, #tpu.memory_space<semaphore_mem>>) src(%dma_wait3A_32 : memref<94x128xi32, #tpu.memory_space<hbm>>) dst(%arg8 : memref<94x128xi32, #tpu.memory_space<vmem>>)
      tpu.yield
    }) : () -> ()
    %barrier3A = arith.constant 0 : index
    tpu.barrier barrier_id(%barrier3A)
    %while3A = arith.constant 0 : i32
    %while3A_5 = arith.constant 0 : i32
    %while3A_6 = arith.subi %select_n3A, %while3A_5 : i32
    %while3A_7 = arith.addi %while3A_5, %while3A_6 : i32
    %while3A_8 = arith.constant 1 : i32
    %while3A_9 = arith.divsi %while3A_6, %while3A_8 : i32
    %while3A_10 = arith.muli %while3A_9, %while3A_8 : i32
    %while3A_11 = arith.addi %while3A_5, %while3A_10 : i32
    %while3A_12 = arith.constant 1 : i32
    scf.for %while3A_19 = %while3A_5 to %while3A_11 step %while3A_12  : i32 {
      "tpu.region"() ({
        %run_scoped3A = tpu.sem_alloc : memref<!tpu.dma_semaphore, #tpu.memory_space<semaphore_mem>>
        %dma_start3A = arith.constant 0 : i32
        %dma_start3A_20 = tpu.memref_slice %arg7[%while3A_19, %dma_start3A] : memref<94x128xi32, #tpu.memory_space<vmem>> -> memref<1x128xi32, #tpu.memory_space<vmem>>
        %dma_start3A_21 = tpu.memref_squeeze %dma_start3A_20 : memref<1x128xi32, #tpu.memory_space<vmem>> -> memref<128xi32, #tpu.memory_space<vmem>>
        %dma_start3A_22 = arith.constant 0 : i32
        %dma_start3A_23 = arith.constant 0 : i32
        %dma_start3A_24 = tpu.memref_slice %arg2[%dma_start3A_22, %dma_start3A_23] : memref<10112x128xf32, #tpu.memory_space<hbm>> -> memref<10112x128xf32, #tpu.memory_space<hbm>>
        tpu.enqueue_indirect_dma source(%dma_start3A_24 : memref<10112x128xf32, #tpu.memory_space<hbm>>) target(%arg9 : memref<128x128xf32, #tpu.memory_space<vmem>>) offsets(%dma_start3A_21 : memref<128xi32, #tpu.memory_space<vmem>>) semaphore(%run_scoped3A : memref<!tpu.dma_semaphore, #tpu.memory_space<semaphore_mem>>)
        %dma_wait3A = arith.constant 0 : i32
        %dma_wait3A_25 = tpu.memref_slice %arg7[%while3A_19, %dma_wait3A] : memref<94x128xi32, #tpu.memory_space<vmem>> -> memref<1x128xi32, #tpu.memory_space<vmem>>
        %dma_wait3A_26 = tpu.memref_squeeze %dma_wait3A_25 : memref<1x128xi32, #tpu.memory_space<vmem>> -> memref<128xi32, #tpu.memory_space<vmem>>
        %dma_wait3A_27 = arith.constant 0 : i32
        %dma_wait3A_28 = arith.constant 0 : i32
        %dma_wait3A_29 = tpu.memref_slice %arg2[%dma_wait3A_27, %dma_wait3A_28] : memref<10112x128xf32, #tpu.memory_space<hbm>> -> memref<10112x128xf32, #tpu.memory_space<hbm>>
        tpu.wait_indirect_dma semaphore(%run_scoped3A : memref<!tpu.dma_semaphore, #tpu.memory_space<semaphore_mem>>) src(%dma_wait3A_29 : memref<10112x128xf32, #tpu.memory_space<hbm>>) dst(%arg9 : memref<128x128xf32, #tpu.memory_space<vmem>>)
        tpu.yield
      }) : () -> ()
      "tpu.region"() ({
        %run_scoped3A = tpu.sem_alloc : memref<!tpu.dma_semaphore, #tpu.memory_space<semaphore_mem>>
        %dma_start3A = arith.constant 0 : i32
        %dma_start3A_20 = tpu.memref_slice %arg8[%while3A_19, %dma_start3A] : memref<94x128xi32, #tpu.memory_space<vmem>> -> memref<1x128xi32, #tpu.memory_space<vmem>>
        %dma_start3A_21 = tpu.memref_squeeze %dma_start3A_20 : memref<1x128xi32, #tpu.memory_space<vmem>> -> memref<128xi32, #tpu.memory_space<vmem>>
        %dma_start3A_22 = arith.constant 0 : i32
        %dma_start3A_23 = arith.constant 0 : i32
        %dma_start3A_24 = tpu.memref_slice %arg10[%dma_start3A_22, %dma_start3A_23] : memref<10112x128xf32, #tpu.memory_space<vmem_shared>> -> memref<10112x128xf32, #tpu.memory_space<vmem_shared>>
        tpu.enqueue_indirect_dma source(%arg9 : memref<128x128xf32, #tpu.memory_space<vmem>>) target(%dma_start3A_24 : memref<10112x128xf32, #tpu.memory_space<vmem_shared>>) offsets(%dma_start3A_21 : memref<128xi32, #tpu.memory_space<vmem>>) semaphore(%run_scoped3A : memref<!tpu.dma_semaphore, #tpu.memory_space<semaphore_mem>>) {add = true}
        %dma_wait3A = arith.constant 0 : i32
        %dma_wait3A_25 = tpu.memref_slice %arg8[%while3A_19, %dma_wait3A] : memref<94x128xi32, #tpu.memory_space<vmem>> -> memref<1x128xi32, #tpu.memory_space<vmem>>
        %dma_wait3A_26 = tpu.memref_squeeze %dma_wait3A_25 : memref<1x128xi32, #tpu.memory_space<vmem>> -> memref<128xi32, #tpu.memory_space<vmem>>
        %dma_wait3A_27 = arith.constant 0 : i32
        %dma_wait3A_28 = arith.constant 0 : i32
        %dma_wait3A_29 = tpu.memref_slice %arg10[%dma_wait3A_27, %dma_wait3A_28] : memref<10112x128xf32, #tpu.memory_space<vmem_shared>> -> memref<10112x128xf32, #tpu.memory_space<vmem_shared>>
        tpu.wait_indirect_dma semaphore(%run_scoped3A : memref<!tpu.dma_semaphore, #tpu.memory_space<semaphore_mem>>) src(%arg9 : memref<128x128xf32, #tpu.memory_space<vmem>>) dst(%dma_wait3A_29 : memref<10112x128xf32, #tpu.memory_space<vmem_shared>>)
        tpu.yield
      }) : () -> ()
    }
    %while3A_13 = arith.constant 1 : i32
    scf.for %while3A_19 = %while3A_11 to %while3A_7 step %while3A_13  : i32 {
      "tpu.region"() ({
        %run_scoped3A = tpu.sem_alloc : memref<!tpu.dma_semaphore, #tpu.memory_space<semaphore_mem>>
        %dma_start3A = arith.constant 0 : i32
        %dma_start3A_20 = tpu.memref_slice %arg7[%while3A_19, %dma_start3A] : memref<94x128xi32, #tpu.memory_space<vmem>> -> memref<1x128xi32, #tpu.memory_space<vmem>>
        %dma_start3A_21 = tpu.memref_squeeze %dma_start3A_20 : memref<1x128xi32, #tpu.memory_space<vmem>> -> memref<128xi32, #tpu.memory_space<vmem>>
        %dma_start3A_22 = arith.constant 0 : i32
        %dma_start3A_23 = arith.constant 0 : i32
        %dma_start3A_24 = tpu.memref_slice %arg2[%dma_start3A_22, %dma_start3A_23] : memref<10112x128xf32, #tpu.memory_space<hbm>> -> memref<10112x128xf32, #tpu.memory_space<hbm>>
        tpu.enqueue_indirect_dma source(%dma_start3A_24 : memref<10112x128xf32, #tpu.memory_space<hbm>>) target(%arg9 : memref<128x128xf32, #tpu.memory_space<vmem>>) offsets(%dma_start3A_21 : memref<128xi32, #tpu.memory_space<vmem>>) semaphore(%run_scoped3A : memref<!tpu.dma_semaphore, #tpu.memory_space<semaphore_mem>>)
        %dma_wait3A = arith.constant 0 : i32
        %dma_wait3A_25 = tpu.memref_slice %arg7[%while3A_19, %dma_wait3A] : memref<94x128xi32, #tpu.memory_space<vmem>> -> memref<1x128xi32, #tpu.memory_space<vmem>>
        %dma_wait3A_26 = tpu.memref_squeeze %dma_wait3A_25 : memref<1x128xi32, #tpu.memory_space<vmem>> -> memref<128xi32, #tpu.memory_space<vmem>>
        %dma_wait3A_27 = arith.constant 0 : i32
        %dma_wait3A_28 = arith.constant 0 : i32
        %dma_wait3A_29 = tpu.memref_slice %arg2[%dma_wait3A_27, %dma_wait3A_28] : memref<10112x128xf32, #tpu.memory_space<hbm>> -> memref<10112x128xf32, #tpu.memory_space<hbm>>
        tpu.wait_indirect_dma semaphore(%run_scoped3A : memref<!tpu.dma_semaphore, #tpu.memory_space<semaphore_mem>>) src(%dma_wait3A_29 : memref<10112x128xf32, #tpu.memory_space<hbm>>) dst(%arg9 : memref<128x128xf32, #tpu.memory_space<vmem>>)
        tpu.yield
      }) : () -> ()
      "tpu.region"() ({
        %run_scoped3A = tpu.sem_alloc : memref<!tpu.dma_semaphore, #tpu.memory_space<semaphore_mem>>
        %dma_start3A = arith.constant 0 : i32
        %dma_start3A_20 = tpu.memref_slice %arg8[%while3A_19, %dma_start3A] : memref<94x128xi32, #tpu.memory_space<vmem>> -> memref<1x128xi32, #tpu.memory_space<vmem>>
        %dma_start3A_21 = tpu.memref_squeeze %dma_start3A_20 : memref<1x128xi32, #tpu.memory_space<vmem>> -> memref<128xi32, #tpu.memory_space<vmem>>
        %dma_start3A_22 = arith.constant 0 : i32
        %dma_start3A_23 = arith.constant 0 : i32
        %dma_start3A_24 = tpu.memref_slice %arg10[%dma_start3A_22, %dma_start3A_23] : memref<10112x128xf32, #tpu.memory_space<vmem_shared>> -> memref<10112x128xf32, #tpu.memory_space<vmem_shared>>
        tpu.enqueue_indirect_dma source(%arg9 : memref<128x128xf32, #tpu.memory_space<vmem>>) target(%dma_start3A_24 : memref<10112x128xf32, #tpu.memory_space<vmem_shared>>) offsets(%dma_start3A_21 : memref<128xi32, #tpu.memory_space<vmem>>) semaphore(%run_scoped3A : memref<!tpu.dma_semaphore, #tpu.memory_space<semaphore_mem>>) {add = true}
        %dma_wait3A = arith.constant 0 : i32
        %dma_wait3A_25 = tpu.memref_slice %arg8[%while3A_19, %dma_wait3A] : memref<94x128xi32, #tpu.memory_space<vmem>> -> memref<1x128xi32, #tpu.memory_space<vmem>>
        %dma_wait3A_26 = tpu.memref_squeeze %dma_wait3A_25 : memref<1x128xi32, #tpu.memory_space<vmem>> -> memref<128xi32, #tpu.memory_space<vmem>>
        %dma_wait3A_27 = arith.constant 0 : i32
        %dma_wait3A_28 = arith.constant 0 : i32
        %dma_wait3A_29 = tpu.memref_slice %arg10[%dma_wait3A_27, %dma_wait3A_28] : memref<10112x128xf32, #tpu.memory_space<vmem_shared>> -> memref<10112x128xf32, #tpu.memory_space<vmem_shared>>
        tpu.wait_indirect_dma semaphore(%run_scoped3A : memref<!tpu.dma_semaphore, #tpu.memory_space<semaphore_mem>>) src(%arg9 : memref<128x128xf32, #tpu.memory_space<vmem>>) dst(%dma_wait3A_29 : memref<10112x128xf32, #tpu.memory_space<vmem_shared>>)
        tpu.yield
      }) : () -> ()
    }
    %barrier3A_14 = arith.constant 0 : index
    tpu.barrier barrier_id(%barrier3A_14)
    %mul3A_15 = arith.constant 632 : i32
    %mul3A_16 = arith.muli %arg1, %mul3A_15 : i32
    %mul3A_17 = arith.constant 632 : i32
    %mul3A_18 = arith.muli %arg1, %mul3A_17 : i32
    "tpu.region"() ({
      %run_scoped3A = tpu.sem_alloc : memref<!tpu.dma_semaphore, #tpu.memory_space<semaphore_mem>>
      %dma_start3A = arith.constant 0 : i32
      %dma_start3A_19 = tpu.memref_slice %arg6[%arg0, %mul3A_18, %dma_start3A] : memref<2x10112x128xf32, #tpu.memory_space<hbm>> -> memref<1x632x128xf32, #tpu.memory_space<hbm>>
      %dma_start3A_20 = tpu.memref_squeeze %dma_start3A_19 : memref<1x632x128xf32, #tpu.memory_space<hbm>> -> memref<632x128xf32, #tpu.memory_space<hbm>>
      %dma_start3A_21 = arith.constant 0 : i32
      %dma_start3A_22 = tpu.memref_slice %arg10[%mul3A_16, %dma_start3A_21] : memref<10112x128xf32, #tpu.memory_space<vmem_shared>> -> memref<632x128xf32, #tpu.memory_space<vmem_shared>>
      tpu.enqueue_dma source(%dma_start3A_22 : memref<632x128xf32, #tpu.memory_space<vmem_shared>>) target(%dma_start3A_20 : memref<632x128xf32, #tpu.memory_space<hbm>>) target_semaphore(%run_scoped3A : memref<!tpu.dma_semaphore, #tpu.memory_space<semaphore_mem>>)
      %dma_wait3A = arith.constant 0 : i32
      %dma_wait3A_23 = tpu.memref_slice %arg6[%arg0, %mul3A_18, %dma_wait3A] : memref<2x10112x128xf32, #tpu.memory_space<hbm>> -> memref<1x632x128xf32, #tpu.memory_space<hbm>>
      %dma_wait3A_24 = tpu.memref_squeeze %dma_wait3A_23 : memref<1x632x128xf32, #tpu.memory_space<hbm>> -> memref<632x128xf32, #tpu.memory_space<hbm>>
      %dma_wait3A_25 = arith.constant 0 : i32
      %dma_wait3A_26 = tpu.memref_slice %arg10[%mul3A_16, %dma_wait3A_25] : memref<10112x128xf32, #tpu.memory_space<vmem_shared>> -> memref<632x128xf32, #tpu.memory_space<vmem_shared>>
      tpu.wait_dma2 semaphore(%run_scoped3A : memref<!tpu.dma_semaphore, #tpu.memory_space<semaphore_mem>>) src(%dma_wait3A_26 : memref<632x128xf32, #tpu.memory_space<vmem_shared>>) dst(%dma_wait3A_24 : memref<632x128xf32, #tpu.memory_space<hbm>>)
      tpu.yield
    }) : () -> ()
    return
  }
}

#map = affine_map<(d0, d1) -> (0, 0)>
#map1 = affine_map<(d0, d1) -> (0, 0, 0)>
module attributes {stable_mosaic.version = 14 : i64} {
  func.func @spmm(%arg0: i32, %arg1: i32, %arg2: memref<10000x128xf32, #tpu.memory_space<hbm>>, %arg3: memref<32x94x128xi32, #tpu.memory_space<hbm>>, %arg4: memref<32x94x128xi32, #tpu.memory_space<hbm>>, %arg5: memref<632x128xf32, #tpu.memory_space<hbm>>, %arg6: memref<2x10112x128xf32, #tpu.memory_space<hbm>>, %arg7: memref<94x128xi32, #tpu.memory_space<vmem>>, %arg8: memref<94x128xi32, #tpu.memory_space<vmem>>, %arg9: memref<128x128xf32, #tpu.memory_space<vmem>>, %arg10: memref<10112x128xf32, #tpu.memory_space<vmem_shared>>) attributes {dimension_semantics = [#tpu.dimension_semantics<core_parallel>, #tpu.dimension_semantics<subcore_parallel>], iteration_bounds = array<i64: 2, 16>, scalar_prefetch = 0 : i64, scratch_operands = 4 : i64, tpu.core_type = #tpu.core_type<sc_vector_subcore>, window_params = [{transform_indices = #map}, {transform_indices = #map1}, {transform_indices = #map1}, {transform_indices = #map}, {transform_indices = #map1}]} {
    %mul3A = arith.constant 2 : i32
    %mul3A_0 = arith.muli %arg1, %mul3A : i32
    %add3A = arith.addi %mul3A_0, %arg0 : i32
    %eq3A = arith.constant 0 : i32
    %eq3A_1 = arith.cmpi eq, %arg0, %eq3A : i32
    %jit3A = arith.constant 94 : i32
    %jit3A_2 = arith.constant 63 : i32
    %select_n3A = arith.select %eq3A_1, %jit3A, %jit3A_2 : i32
    %mul3A_3 = arith.constant 632 : i32
    %mul3A_4 = arith.muli %arg1, %mul3A_3 : i32
    "tpu.region"() ({
      %run_scoped3A = tpu.sem_alloc : memref<!tpu.dma_semaphore, #tpu.memory_space<semaphore_mem>>
      %dma_start3A = arith.constant 0 : i32
      %dma_start3A_19 = tpu.memref_slice %arg10[%mul3A_4, %dma_start3A] : memref<10112x128xf32, #tpu.memory_space<vmem_shared>> -> memref<632x128xf32, #tpu.memory_space<vmem_shared>>
      tpu.enqueue_dma source(%arg5 : memref<632x128xf32, #tpu.memory_space<hbm>>) target(%dma_start3A_19 : memref<632x128xf32, #tpu.memory_space<vmem_shared>>) target_semaphore(%run_scoped3A : memref<!tpu.dma_semaphore, #tpu.memory_space<semaphore_mem>>)
      %dma_wait3A = arith.constant 0 : i32
      %dma_wait3A_20 = tpu.memref_slice %arg10[%mul3A_4, %dma_wait3A] : memref<10112x128xf32, #tpu.memory_space<vmem_shared>> -> memref<632x128xf32, #tpu.memory_space<vmem_shared>>
      tpu.wait_dma2 semaphore(%run_scoped3A : memref<!tpu.dma_semaphore, #tpu.memory_space<semaphore_mem>>) src(%arg5 : memref<632x128xf32, #tpu.memory_space<hbm>>) dst(%dma_wait3A_20 : memref<632x128xf32, #tpu.memory_space<vmem_shared>>)
      tpu.yield
    }) : () -> ()
    "tpu.region"() ({
      %run_scoped3A = tpu.sem_alloc : memref<!tpu.dma_semaphore, #tpu.memory_space<semaphore_mem>>
      %dma_start3A = arith.constant 0 : i32
      %dma_start3A_19 = arith.constant 0 : i32
      %dma_start3A_20 = tpu.memref_slice %arg3[%add3A, %dma_start3A, %dma_start3A_19] : memref<32x94x128xi32, #tpu.memory_space<hbm>> -> memref<1x94x128xi32, #tpu.memory_space<hbm>>
      %dma_start3A_21 = tpu.memref_squeeze %dma_start3A_20 : memref<1x94x128xi32, #tpu.memory_space<hbm>> -> memref<94x128xi32, #tpu.memory_space<hbm>>
      %dma_start3A_22 = arith.constant 0 : i32
      %dma_start3A_23 = arith.constant 0 : i32
      %dma_start3A_24 = tpu.memref_slice %arg3[%add3A, %dma_start3A_22, %dma_start3A_23] : memref<32x94x128xi32, #tpu.memory_space<hbm>> -> memref<1x94x128xi32, #tpu.memory_space<hbm>>
      %dma_start3A_25 = tpu.memref_squeeze %dma_start3A_24 : memref<1x94x128xi32, #tpu.memory_space<hbm>> -> memref<94x128xi32, #tpu.memory_space<hbm>>
      tpu.enqueue_dma source(%dma_start3A_25 : memref<94x128xi32, #tpu.memory_space<hbm>>) target(%arg7 : memref<94x128xi32, #tpu.memory_space<vmem>>) target_semaphore(%run_scoped3A : memref<!tpu.dma_semaphore, #tpu.memory_space<semaphore_mem>>)
      %dma_wait3A = arith.constant 0 : i32
      %dma_wait3A_26 = arith.constant 0 : i32
      %dma_wait3A_27 = tpu.memref_slice %arg3[%add3A, %dma_wait3A, %dma_wait3A_26] : memref<32x94x128xi32, #tpu.memory_space<hbm>> -> memref<1x94x128xi32, #tpu.memory_space<hbm>>
      %dma_wait3A_28 = tpu.memref_squeeze %dma_wait3A_27 : memref<1x94x128xi32, #tpu.memory_space<hbm>> -> memref<94x128xi32, #tpu.memory_space<hbm>>
      %dma_wait3A_29 = arith.constant 0 : i32
      %dma_wait3A_30 = arith.constant 0 : i32
      %dma_wait3A_31 = tpu.memref_slice %arg3[%add3A, %dma_wait3A_29, %dma_wait3A_30] : memref<32x94x128xi32, #tpu.memory_space<hbm>> -> memref<1x94x128xi32, #tpu.memory_space<hbm>>
      %dma_wait3A_32 = tpu.memref_squeeze %dma_wait3A_31 : memref<1x94x128xi32, #tpu.memory_space<hbm>> -> memref<94x128xi32, #tpu.memory_space<hbm>>
      tpu.wait_dma2 semaphore(%run_scoped3A : memref<!tpu.dma_semaphore, #tpu.memory_space<semaphore_mem>>) src(%dma_wait3A_32 : memref<94x128xi32, #tpu.memory_space<hbm>>) dst(%arg7 : memref<94x128xi32, #tpu.memory_space<vmem>>)
      tpu.yield
    }) : () -> ()
    "tpu.region"() ({
      %run_scoped3A = tpu.sem_alloc : memref<!tpu.dma_semaphore, #tpu.memory_space<semaphore_mem>>
      %dma_start3A = arith.constant 0 : i32
      %dma_start3A_19 = arith.constant 0 : i32
      %dma_start3A_20 = tpu.memref_slice %arg4[%add3A, %dma_start3A, %dma_start3A_19] : memref<32x94x128xi32, #tpu.memory_space<hbm>> -> memref<1x94x128xi32, #tpu.memory_space<hbm>>
      %dma_start3A_21 = tpu.memref_squeeze %dma_start3A_20 : memref<1x94x128xi32, #tpu.memory_space<hbm>> -> memref<94x128xi32, #tpu.memory_space<hbm>>
      %dma_start3A_22 = arith.constant 0 : i32
      %dma_start3A_23 = arith.constant 0 : i32
      %dma_start3A_24 = tpu.memref_slice %arg4[%add3A, %dma_start3A_22, %dma_start3A_23] : memref<32x94x128xi32, #tpu.memory_space<hbm>> -> memref<1x94x128xi32, #tpu.memory_space<hbm>>
      %dma_start3A_25 = tpu.memref_squeeze %dma_start3A_24 : memref<1x94x128xi32, #tpu.memory_space<hbm>> -> memref<94x128xi32, #tpu.memory_space<hbm>>
      tpu.enqueue_dma source(%dma_start3A_25 : memref<94x128xi32, #tpu.memory_space<hbm>>) target(%arg8 : memref<94x128xi32, #tpu.memory_space<vmem>>) target_semaphore(%run_scoped3A : memref<!tpu.dma_semaphore, #tpu.memory_space<semaphore_mem>>)
      %dma_wait3A = arith.constant 0 : i32
      %dma_wait3A_26 = arith.constant 0 : i32
      %dma_wait3A_27 = tpu.memref_slice %arg4[%add3A, %dma_wait3A, %dma_wait3A_26] : memref<32x94x128xi32, #tpu.memory_space<hbm>> -> memref<1x94x128xi32, #tpu.memory_space<hbm>>
      %dma_wait3A_28 = tpu.memref_squeeze %dma_wait3A_27 : memref<1x94x128xi32, #tpu.memory_space<hbm>> -> memref<94x128xi32, #tpu.memory_space<hbm>>
      %dma_wait3A_29 = arith.constant 0 : i32
      %dma_wait3A_30 = arith.constant 0 : i32
      %dma_wait3A_31 = tpu.memref_slice %arg4[%add3A, %dma_wait3A_29, %dma_wait3A_30] : memref<32x94x128xi32, #tpu.memory_space<hbm>> -> memref<1x94x128xi32, #tpu.memory_space<hbm>>
      %dma_wait3A_32 = tpu.memref_squeeze %dma_wait3A_31 : memref<1x94x128xi32, #tpu.memory_space<hbm>> -> memref<94x128xi32, #tpu.memory_space<hbm>>
      tpu.wait_dma2 semaphore(%run_scoped3A : memref<!tpu.dma_semaphore, #tpu.memory_space<semaphore_mem>>) src(%dma_wait3A_32 : memref<94x128xi32, #tpu.memory_space<hbm>>) dst(%arg8 : memref<94x128xi32, #tpu.memory_space<vmem>>)
      tpu.yield
    }) : () -> ()
    %barrier3A = arith.constant 0 : index
    tpu.barrier barrier_id(%barrier3A)
    %while3A = arith.constant 0 : i32
    %while3A_5 = arith.constant 0 : i32
    %while3A_6 = arith.subi %select_n3A, %while3A_5 : i32
    %while3A_7 = arith.addi %while3A_5, %while3A_6 : i32
    %while3A_8 = arith.constant 1 : i32
    %while3A_9 = arith.divsi %while3A_6, %while3A_8 : i32
    %while3A_10 = arith.muli %while3A_9, %while3A_8 : i32
    %while3A_11 = arith.addi %while3A_5, %while3A_10 : i32
    %while3A_12 = arith.constant 1 : i32
    scf.for %while3A_19 = %while3A_5 to %while3A_11 step %while3A_12  : i32 {
      "tpu.region"() ({
        %run_scoped3A = tpu.sem_alloc : memref<!tpu.dma_semaphore, #tpu.memory_space<semaphore_mem>>
        %dma_start3A = arith.constant 0 : i32
        %dma_start3A_20 = tpu.memref_slice %arg7[%while3A_19, %dma_start3A] : memref<94x128xi32, #tpu.memory_space<vmem>> -> memref<1x128xi32, #tpu.memory_space<vmem>>
        %dma_start3A_21 = tpu.memref_squeeze %dma_start3A_20 : memref<1x128xi32, #tpu.memory_space<vmem>> -> memref<128xi32, #tpu.memory_space<vmem>>
        %dma_start3A_22 = arith.constant 0 : i32
        %dma_start3A_23 = arith.constant 0 : i32
        %dma_start3A_24 = tpu.memref_slice %arg2[%dma_start3A_22, %dma_start3A_23] : memref<10000x128xf32, #tpu.memory_space<hbm>> -> memref<10000x128xf32, #tpu.memory_space<hbm>>
        tpu.enqueue_indirect_dma source(%dma_start3A_24 : memref<10000x128xf32, #tpu.memory_space<hbm>>) target(%arg9 : memref<128x128xf32, #tpu.memory_space<vmem>>) offsets(%dma_start3A_21 : memref<128xi32, #tpu.memory_space<vmem>>) semaphore(%run_scoped3A : memref<!tpu.dma_semaphore, #tpu.memory_space<semaphore_mem>>)
        %dma_wait3A = arith.constant 0 : i32
        %dma_wait3A_25 = tpu.memref_slice %arg7[%while3A_19, %dma_wait3A] : memref<94x128xi32, #tpu.memory_space<vmem>> -> memref<1x128xi32, #tpu.memory_space<vmem>>
        %dma_wait3A_26 = tpu.memref_squeeze %dma_wait3A_25 : memref<1x128xi32, #tpu.memory_space<vmem>> -> memref<128xi32, #tpu.memory_space<vmem>>
        %dma_wait3A_27 = arith.constant 0 : i32
        %dma_wait3A_28 = arith.constant 0 : i32
        %dma_wait3A_29 = tpu.memref_slice %arg2[%dma_wait3A_27, %dma_wait3A_28] : memref<10000x128xf32, #tpu.memory_space<hbm>> -> memref<10000x128xf32, #tpu.memory_space<hbm>>
        tpu.wait_indirect_dma semaphore(%run_scoped3A : memref<!tpu.dma_semaphore, #tpu.memory_space<semaphore_mem>>) src(%dma_wait3A_29 : memref<10000x128xf32, #tpu.memory_space<hbm>>) dst(%arg9 : memref<128x128xf32, #tpu.memory_space<vmem>>)
        tpu.yield
      }) : () -> ()
      "tpu.region"() ({
        %run_scoped3A = tpu.sem_alloc : memref<!tpu.dma_semaphore, #tpu.memory_space<semaphore_mem>>
        %dma_start3A = arith.constant 0 : i32
        %dma_start3A_20 = tpu.memref_slice %arg8[%while3A_19, %dma_start3A] : memref<94x128xi32, #tpu.memory_space<vmem>> -> memref<1x128xi32, #tpu.memory_space<vmem>>
        %dma_start3A_21 = tpu.memref_squeeze %dma_start3A_20 : memref<1x128xi32, #tpu.memory_space<vmem>> -> memref<128xi32, #tpu.memory_space<vmem>>
        %dma_start3A_22 = arith.constant 0 : i32
        %dma_start3A_23 = arith.constant 0 : i32
        %dma_start3A_24 = tpu.memref_slice %arg10[%dma_start3A_22, %dma_start3A_23] : memref<10112x128xf32, #tpu.memory_space<vmem_shared>> -> memref<10112x128xf32, #tpu.memory_space<vmem_shared>>
        tpu.enqueue_indirect_dma source(%arg9 : memref<128x128xf32, #tpu.memory_space<vmem>>) target(%dma_start3A_24 : memref<10112x128xf32, #tpu.memory_space<vmem_shared>>) offsets(%dma_start3A_21 : memref<128xi32, #tpu.memory_space<vmem>>) semaphore(%run_scoped3A : memref<!tpu.dma_semaphore, #tpu.memory_space<semaphore_mem>>) {add = true}
        %dma_wait3A = arith.constant 0 : i32
        %dma_wait3A_25 = tpu.memref_slice %arg8[%while3A_19, %dma_wait3A] : memref<94x128xi32, #tpu.memory_space<vmem>> -> memref<1x128xi32, #tpu.memory_space<vmem>>
        %dma_wait3A_26 = tpu.memref_squeeze %dma_wait3A_25 : memref<1x128xi32, #tpu.memory_space<vmem>> -> memref<128xi32, #tpu.memory_space<vmem>>
        %dma_wait3A_27 = arith.constant 0 : i32
        %dma_wait3A_28 = arith.constant 0 : i32
        %dma_wait3A_29 = tpu.memref_slice %arg10[%dma_wait3A_27, %dma_wait3A_28] : memref<10112x128xf32, #tpu.memory_space<vmem_shared>> -> memref<10112x128xf32, #tpu.memory_space<vmem_shared>>
        tpu.wait_indirect_dma semaphore(%run_scoped3A : memref<!tpu.dma_semaphore, #tpu.memory_space<semaphore_mem>>) src(%arg9 : memref<128x128xf32, #tpu.memory_space<vmem>>) dst(%dma_wait3A_29 : memref<10112x128xf32, #tpu.memory_space<vmem_shared>>)
        tpu.yield
      }) : () -> ()
    }
    %while3A_13 = arith.constant 1 : i32
    scf.for %while3A_19 = %while3A_11 to %while3A_7 step %while3A_13  : i32 {
      "tpu.region"() ({
        %run_scoped3A = tpu.sem_alloc : memref<!tpu.dma_semaphore, #tpu.memory_space<semaphore_mem>>
        %dma_start3A = arith.constant 0 : i32
        %dma_start3A_20 = tpu.memref_slice %arg7[%while3A_19, %dma_start3A] : memref<94x128xi32, #tpu.memory_space<vmem>> -> memref<1x128xi32, #tpu.memory_space<vmem>>
        %dma_start3A_21 = tpu.memref_squeeze %dma_start3A_20 : memref<1x128xi32, #tpu.memory_space<vmem>> -> memref<128xi32, #tpu.memory_space<vmem>>
        %dma_start3A_22 = arith.constant 0 : i32
        %dma_start3A_23 = arith.constant 0 : i32
        %dma_start3A_24 = tpu.memref_slice %arg2[%dma_start3A_22, %dma_start3A_23] : memref<10000x128xf32, #tpu.memory_space<hbm>> -> memref<10000x128xf32, #tpu.memory_space<hbm>>
        tpu.enqueue_indirect_dma source(%dma_start3A_24 : memref<10000x128xf32, #tpu.memory_space<hbm>>) target(%arg9 : memref<128x128xf32, #tpu.memory_space<vmem>>) offsets(%dma_start3A_21 : memref<128xi32, #tpu.memory_space<vmem>>) semaphore(%run_scoped3A : memref<!tpu.dma_semaphore, #tpu.memory_space<semaphore_mem>>)
        %dma_wait3A = arith.constant 0 : i32
        %dma_wait3A_25 = tpu.memref_slice %arg7[%while3A_19, %dma_wait3A] : memref<94x128xi32, #tpu.memory_space<vmem>> -> memref<1x128xi32, #tpu.memory_space<vmem>>
        %dma_wait3A_26 = tpu.memref_squeeze %dma_wait3A_25 : memref<1x128xi32, #tpu.memory_space<vmem>> -> memref<128xi32, #tpu.memory_space<vmem>>
        %dma_wait3A_27 = arith.constant 0 : i32
        %dma_wait3A_28 = arith.constant 0 : i32
        %dma_wait3A_29 = tpu.memref_slice %arg2[%dma_wait3A_27, %dma_wait3A_28] : memref<10000x128xf32, #tpu.memory_space<hbm>> -> memref<10000x128xf32, #tpu.memory_space<hbm>>
        tpu.wait_indirect_dma semaphore(%run_scoped3A : memref<!tpu.dma_semaphore, #tpu.memory_space<semaphore_mem>>) src(%dma_wait3A_29 : memref<10000x128xf32, #tpu.memory_space<hbm>>) dst(%arg9 : memref<128x128xf32, #tpu.memory_space<vmem>>)
        tpu.yield
      }) : () -> ()
      "tpu.region"() ({
        %run_scoped3A = tpu.sem_alloc : memref<!tpu.dma_semaphore, #tpu.memory_space<semaphore_mem>>
        %dma_start3A = arith.constant 0 : i32
        %dma_start3A_20 = tpu.memref_slice %arg8[%while3A_19, %dma_start3A] : memref<94x128xi32, #tpu.memory_space<vmem>> -> memref<1x128xi32, #tpu.memory_space<vmem>>
        %dma_start3A_21 = tpu.memref_squeeze %dma_start3A_20 : memref<1x128xi32, #tpu.memory_space<vmem>> -> memref<128xi32, #tpu.memory_space<vmem>>
        %dma_start3A_22 = arith.constant 0 : i32
        %dma_start3A_23 = arith.constant 0 : i32
        %dma_start3A_24 = tpu.memref_slice %arg10[%dma_start3A_22, %dma_start3A_23] : memref<10112x128xf32, #tpu.memory_space<vmem_shared>> -> memref<10112x128xf32, #tpu.memory_space<vmem_shared>>
        tpu.enqueue_indirect_dma source(%arg9 : memref<128x128xf32, #tpu.memory_space<vmem>>) target(%dma_start3A_24 : memref<10112x128xf32, #tpu.memory_space<vmem_shared>>) offsets(%dma_start3A_21 : memref<128xi32, #tpu.memory_space<vmem>>) semaphore(%run_scoped3A : memref<!tpu.dma_semaphore, #tpu.memory_space<semaphore_mem>>) {add = true}
        %dma_wait3A = arith.constant 0 : i32
        %dma_wait3A_25 = tpu.memref_slice %arg8[%while3A_19, %dma_wait3A] : memref<94x128xi32, #tpu.memory_space<vmem>> -> memref<1x128xi32, #tpu.memory_space<vmem>>
        %dma_wait3A_26 = tpu.memref_squeeze %dma_wait3A_25 : memref<1x128xi32, #tpu.memory_space<vmem>> -> memref<128xi32, #tpu.memory_space<vmem>>
        %dma_wait3A_27 = arith.constant 0 : i32
        %dma_wait3A_28 = arith.constant 0 : i32
        %dma_wait3A_29 = tpu.memref_slice %arg10[%dma_wait3A_27, %dma_wait3A_28] : memref<10112x128xf32, #tpu.memory_space<vmem_shared>> -> memref<10112x128xf32, #tpu.memory_space<vmem_shared>>
        tpu.wait_indirect_dma semaphore(%run_scoped3A : memref<!tpu.dma_semaphore, #tpu.memory_space<semaphore_mem>>) src(%arg9 : memref<128x128xf32, #tpu.memory_space<vmem>>) dst(%dma_wait3A_29 : memref<10112x128xf32, #tpu.memory_space<vmem_shared>>)
        tpu.yield
      }) : () -> ()
    }
    %barrier3A_14 = arith.constant 0 : index
    tpu.barrier barrier_id(%barrier3A_14)
    %mul3A_15 = arith.constant 632 : i32
    %mul3A_16 = arith.muli %arg1, %mul3A_15 : i32
    %mul3A_17 = arith.constant 632 : i32
    %mul3A_18 = arith.muli %arg1, %mul3A_17 : i32
    "tpu.region"() ({
      %run_scoped3A = tpu.sem_alloc : memref<!tpu.dma_semaphore, #tpu.memory_space<semaphore_mem>>
      %dma_start3A = arith.constant 0 : i32
      %dma_start3A_19 = tpu.memref_slice %arg6[%arg0, %mul3A_18, %dma_start3A] : memref<2x10112x128xf32, #tpu.memory_space<hbm>> -> memref<1x632x128xf32, #tpu.memory_space<hbm>>
      %dma_start3A_20 = tpu.memref_squeeze %dma_start3A_19 : memref<1x632x128xf32, #tpu.memory_space<hbm>> -> memref<632x128xf32, #tpu.memory_space<hbm>>
      %dma_start3A_21 = arith.constant 0 : i32
      %dma_start3A_22 = tpu.memref_slice %arg10[%mul3A_16, %dma_start3A_21] : memref<10112x128xf32, #tpu.memory_space<vmem_shared>> -> memref<632x128xf32, #tpu.memory_space<vmem_shared>>
      tpu.enqueue_dma source(%dma_start3A_22 : memref<632x128xf32, #tpu.memory_space<vmem_shared>>) target(%dma_start3A_20 : memref<632x128xf32, #tpu.memory_space<hbm>>) target_semaphore(%run_scoped3A : memref<!tpu.dma_semaphore, #tpu.memory_space<semaphore_mem>>)
      %dma_wait3A = arith.constant 0 : i32
      %dma_wait3A_23 = tpu.memref_slice %arg6[%arg0, %mul3A_18, %dma_wait3A] : memref<2x10112x128xf32, #tpu.memory_space<hbm>> -> memref<1x632x128xf32, #tpu.memory_space<hbm>>
      %dma_wait3A_24 = tpu.memref_squeeze %dma_wait3A_23 : memref<1x632x128xf32, #tpu.memory_space<hbm>> -> memref<632x128xf32, #tpu.memory_space<hbm>>
      %dma_wait3A_25 = arith.constant 0 : i32
      %dma_wait3A_26 = tpu.memref_slice %arg10[%mul3A_16, %dma_wait3A_25] : memref<10112x128xf32, #tpu.memory_space<vmem_shared>> -> memref<632x128xf32, #tpu.memory_space<vmem_shared>>
      tpu.wait_dma2 semaphore(%run_scoped3A : memref<!tpu.dma_semaphore, #tpu.memory_space<semaphore_mem>>) src(%dma_wait3A_26 : memref<632x128xf32, #tpu.memory_space<vmem_shared>>) dst(%dma_wait3A_24 : memref<632x128xf32, #tpu.memory_space<hbm>>)
      tpu.yield
    }) : () -> ()
    return
  }
}

#map = affine_map<(d0, d1) -> (0, 0)>
#map1 = affine_map<(d0, d1) -> (0, 0, 0)>
module attributes {stable_mosaic.version = 14 : i64} {
  func.func @spmm(%arg0: i32, %arg1: i32, %arg2: memref<10112x128xf32, #tpu.memory_space<hbm>>, %arg3: memref<32x94x128xi32, #tpu.memory_space<hbm>>, %arg4: memref<32x94x128xi32, #tpu.memory_space<hbm>>, %arg5: memref<632x128xf32, #tpu.memory_space<hbm>>, %arg6: memref<2x10112x128xf32, #tpu.memory_space<hbm>>, %arg7: memref<94x128xi32, #tpu.memory_space<vmem>>, %arg8: memref<94x128xi32, #tpu.memory_space<vmem>>, %arg9: memref<128x128xf32, #tpu.memory_space<vmem>>, %arg10: memref<10112x128xf32, #tpu.memory_space<vmem_shared>>) attributes {dimension_semantics = [#tpu.dimension_semantics<core_parallel>, #tpu.dimension_semantics<subcore_parallel>], iteration_bounds = array<i64: 2, 16>, scalar_prefetch = 0 : i64, scratch_operands = 4 : i64, tpu.core_type = #tpu.core_type<sc_vector_subcore>, window_params = [{transform_indices = #map}, {transform_indices = #map1}, {transform_indices = #map1}, {transform_indices = #map}, {transform_indices = #map1}]} {
    %mul3A = arith.constant 2 : i32
    %mul3A_0 = arith.muli %arg1, %mul3A : i32
    %add3A = arith.addi %mul3A_0, %arg0 : i32
    %eq3A = arith.constant 0 : i32
    %eq3A_1 = arith.cmpi eq, %arg0, %eq3A : i32
    %jit3A = arith.constant 94 : i32
    %jit3A_2 = arith.constant 63 : i32
    %select_n3A = arith.select %eq3A_1, %jit3A, %jit3A_2 : i32
    %mul3A_3 = arith.constant 632 : i32
    %mul3A_4 = arith.muli %arg1, %mul3A_3 : i32
    "tpu.region"() ({
      %run_scoped3A = tpu.sem_alloc : memref<!tpu.dma_semaphore, #tpu.memory_space<semaphore_mem>>
      %dma_start3A = arith.constant 0 : i32
      %dma_start3A_19 = tpu.memref_slice %arg10[%mul3A_4, %dma_start3A] : memref<10112x128xf32, #tpu.memory_space<vmem_shared>> -> memref<632x128xf32, #tpu.memory_space<vmem_shared>>
      tpu.enqueue_dma source(%arg5 : memref<632x128xf32, #tpu.memory_space<hbm>>) target(%dma_start3A_19 : memref<632x128xf32, #tpu.memory_space<vmem_shared>>) target_semaphore(%run_scoped3A : memref<!tpu.dma_semaphore, #tpu.memory_space<semaphore_mem>>)
      %dma_wait3A = arith.constant 0 : i32
      %dma_wait3A_20 = tpu.memref_slice %arg10[%mul3A_4, %dma_wait3A] : memref<10112x128xf32, #tpu.memory_space<vmem_shared>> -> memref<632x128xf32, #tpu.memory_space<vmem_shared>>
      tpu.wait_dma2 semaphore(%run_scoped3A : memref<!tpu.dma_semaphore, #tpu.memory_space<semaphore_mem>>) src(%arg5 : memref<632x128xf32, #tpu.memory_space<hbm>>) dst(%dma_wait3A_20 : memref<632x128xf32, #tpu.memory_space<vmem_shared>>)
      tpu.yield
    }) : () -> ()
    "tpu.region"() ({
      %run_scoped3A = tpu.sem_alloc : memref<!tpu.dma_semaphore, #tpu.memory_space<semaphore_mem>>
      %dma_start3A = arith.constant 0 : i32
      %dma_start3A_19 = arith.constant 0 : i32
      %dma_start3A_20 = tpu.memref_slice %arg3[%add3A, %dma_start3A, %dma_start3A_19] : memref<32x94x128xi32, #tpu.memory_space<hbm>> -> memref<1x94x128xi32, #tpu.memory_space<hbm>>
      %dma_start3A_21 = tpu.memref_squeeze %dma_start3A_20 : memref<1x94x128xi32, #tpu.memory_space<hbm>> -> memref<94x128xi32, #tpu.memory_space<hbm>>
      %dma_start3A_22 = arith.constant 0 : i32
      %dma_start3A_23 = arith.constant 0 : i32
      %dma_start3A_24 = tpu.memref_slice %arg3[%add3A, %dma_start3A_22, %dma_start3A_23] : memref<32x94x128xi32, #tpu.memory_space<hbm>> -> memref<1x94x128xi32, #tpu.memory_space<hbm>>
      %dma_start3A_25 = tpu.memref_squeeze %dma_start3A_24 : memref<1x94x128xi32, #tpu.memory_space<hbm>> -> memref<94x128xi32, #tpu.memory_space<hbm>>
      tpu.enqueue_dma source(%dma_start3A_25 : memref<94x128xi32, #tpu.memory_space<hbm>>) target(%arg7 : memref<94x128xi32, #tpu.memory_space<vmem>>) target_semaphore(%run_scoped3A : memref<!tpu.dma_semaphore, #tpu.memory_space<semaphore_mem>>)
      %dma_wait3A = arith.constant 0 : i32
      %dma_wait3A_26 = arith.constant 0 : i32
      %dma_wait3A_27 = tpu.memref_slice %arg3[%add3A, %dma_wait3A, %dma_wait3A_26] : memref<32x94x128xi32, #tpu.memory_space<hbm>> -> memref<1x94x128xi32, #tpu.memory_space<hbm>>
      %dma_wait3A_28 = tpu.memref_squeeze %dma_wait3A_27 : memref<1x94x128xi32, #tpu.memory_space<hbm>> -> memref<94x128xi32, #tpu.memory_space<hbm>>
      %dma_wait3A_29 = arith.constant 0 : i32
      %dma_wait3A_30 = arith.constant 0 : i32
      %dma_wait3A_31 = tpu.memref_slice %arg3[%add3A, %dma_wait3A_29, %dma_wait3A_30] : memref<32x94x128xi32, #tpu.memory_space<hbm>> -> memref<1x94x128xi32, #tpu.memory_space<hbm>>
      %dma_wait3A_32 = tpu.memref_squeeze %dma_wait3A_31 : memref<1x94x128xi32, #tpu.memory_space<hbm>> -> memref<94x128xi32, #tpu.memory_space<hbm>>
      tpu.wait_dma2 semaphore(%run_scoped3A : memref<!tpu.dma_semaphore, #tpu.memory_space<semaphore_mem>>) src(%dma_wait3A_32 : memref<94x128xi32, #tpu.memory_space<hbm>>) dst(%arg7 : memref<94x128xi32, #tpu.memory_space<vmem>>)
      tpu.yield
    }) : () -> ()
    "tpu.region"() ({
      %run_scoped3A = tpu.sem_alloc : memref<!tpu.dma_semaphore, #tpu.memory_space<semaphore_mem>>
      %dma_start3A = arith.constant 0 : i32
      %dma_start3A_19 = arith.constant 0 : i32
      %dma_start3A_20 = tpu.memref_slice %arg4[%add3A, %dma_start3A, %dma_start3A_19] : memref<32x94x128xi32, #tpu.memory_space<hbm>> -> memref<1x94x128xi32, #tpu.memory_space<hbm>>
      %dma_start3A_21 = tpu.memref_squeeze %dma_start3A_20 : memref<1x94x128xi32, #tpu.memory_space<hbm>> -> memref<94x128xi32, #tpu.memory_space<hbm>>
      %dma_start3A_22 = arith.constant 0 : i32
      %dma_start3A_23 = arith.constant 0 : i32
      %dma_start3A_24 = tpu.memref_slice %arg4[%add3A, %dma_start3A_22, %dma_start3A_23] : memref<32x94x128xi32, #tpu.memory_space<hbm>> -> memref<1x94x128xi32, #tpu.memory_space<hbm>>
      %dma_start3A_25 = tpu.memref_squeeze %dma_start3A_24 : memref<1x94x128xi32, #tpu.memory_space<hbm>> -> memref<94x128xi32, #tpu.memory_space<hbm>>
      tpu.enqueue_dma source(%dma_start3A_25 : memref<94x128xi32, #tpu.memory_space<hbm>>) target(%arg8 : memref<94x128xi32, #tpu.memory_space<vmem>>) target_semaphore(%run_scoped3A : memref<!tpu.dma_semaphore, #tpu.memory_space<semaphore_mem>>)
      %dma_wait3A = arith.constant 0 : i32
      %dma_wait3A_26 = arith.constant 0 : i32
      %dma_wait3A_27 = tpu.memref_slice %arg4[%add3A, %dma_wait3A, %dma_wait3A_26] : memref<32x94x128xi32, #tpu.memory_space<hbm>> -> memref<1x94x128xi32, #tpu.memory_space<hbm>>
      %dma_wait3A_28 = tpu.memref_squeeze %dma_wait3A_27 : memref<1x94x128xi32, #tpu.memory_space<hbm>> -> memref<94x128xi32, #tpu.memory_space<hbm>>
      %dma_wait3A_29 = arith.constant 0 : i32
      %dma_wait3A_30 = arith.constant 0 : i32
      %dma_wait3A_31 = tpu.memref_slice %arg4[%add3A, %dma_wait3A_29, %dma_wait3A_30] : memref<32x94x128xi32, #tpu.memory_space<hbm>> -> memref<1x94x128xi32, #tpu.memory_space<hbm>>
      %dma_wait3A_32 = tpu.memref_squeeze %dma_wait3A_31 : memref<1x94x128xi32, #tpu.memory_space<hbm>> -> memref<94x128xi32, #tpu.memory_space<hbm>>
      tpu.wait_dma2 semaphore(%run_scoped3A : memref<!tpu.dma_semaphore, #tpu.memory_space<semaphore_mem>>) src(%dma_wait3A_32 : memref<94x128xi32, #tpu.memory_space<hbm>>) dst(%arg8 : memref<94x128xi32, #tpu.memory_space<vmem>>)
      tpu.yield
    }) : () -> ()
    %barrier3A = arith.constant 0 : index
    tpu.barrier barrier_id(%barrier3A)
    %while3A = arith.constant 0 : i32
    %while3A_5 = arith.constant 0 : i32
    %while3A_6 = arith.subi %select_n3A, %while3A_5 : i32
    %while3A_7 = arith.addi %while3A_5, %while3A_6 : i32
    %while3A_8 = arith.constant 1 : i32
    %while3A_9 = arith.divsi %while3A_6, %while3A_8 : i32
    %while3A_10 = arith.muli %while3A_9, %while3A_8 : i32
    %while3A_11 = arith.addi %while3A_5, %while3A_10 : i32
    %while3A_12 = arith.constant 1 : i32
    scf.for %while3A_19 = %while3A_5 to %while3A_11 step %while3A_12  : i32 {
      "tpu.region"() ({
        %run_scoped3A = tpu.sem_alloc : memref<!tpu.dma_semaphore, #tpu.memory_space<semaphore_mem>>
        %dma_start3A = arith.constant 0 : i32
        %dma_start3A_20 = tpu.memref_slice %arg7[%while3A_19, %dma_start3A] : memref<94x128xi32, #tpu.memory_space<vmem>> -> memref<1x128xi32, #tpu.memory_space<vmem>>
        %dma_start3A_21 = tpu.memref_squeeze %dma_start3A_20 : memref<1x128xi32, #tpu.memory_space<vmem>> -> memref<128xi32, #tpu.memory_space<vmem>>
        %dma_start3A_22 = arith.constant 0 : i32
        %dma_start3A_23 = arith.constant 0 : i32
        %dma_start3A_24 = tpu.memref_slice %arg2[%dma_start3A_22, %dma_start3A_23] : memref<10112x128xf32, #tpu.memory_space<hbm>> -> memref<10112x128xf32, #tpu.memory_space<hbm>>
        tpu.enqueue_indirect_dma source(%dma_start3A_24 : memref<10112x128xf32, #tpu.memory_space<hbm>>) target(%arg9 : memref<128x128xf32, #tpu.memory_space<vmem>>) offsets(%dma_start3A_21 : memref<128xi32, #tpu.memory_space<vmem>>) semaphore(%run_scoped3A : memref<!tpu.dma_semaphore, #tpu.memory_space<semaphore_mem>>)
        %dma_wait3A = arith.constant 0 : i32
        %dma_wait3A_25 = tpu.memref_slice %arg7[%while3A_19, %dma_wait3A] : memref<94x128xi32, #tpu.memory_space<vmem>> -> memref<1x128xi32, #tpu.memory_space<vmem>>
        %dma_wait3A_26 = tpu.memref_squeeze %dma_wait3A_25 : memref<1x128xi32, #tpu.memory_space<vmem>> -> memref<128xi32, #tpu.memory_space<vmem>>
        %dma_wait3A_27 = arith.constant 0 : i32
        %dma_wait3A_28 = arith.constant 0 : i32
        %dma_wait3A_29 = tpu.memref_slice %arg2[%dma_wait3A_27, %dma_wait3A_28] : memref<10112x128xf32, #tpu.memory_space<hbm>> -> memref<10112x128xf32, #tpu.memory_space<hbm>>
        tpu.wait_indirect_dma semaphore(%run_scoped3A : memref<!tpu.dma_semaphore, #tpu.memory_space<semaphore_mem>>) src(%dma_wait3A_29 : memref<10112x128xf32, #tpu.memory_space<hbm>>) dst(%arg9 : memref<128x128xf32, #tpu.memory_space<vmem>>)
        tpu.yield
      }) : () -> ()
      "tpu.region"() ({
        %run_scoped3A = tpu.sem_alloc : memref<!tpu.dma_semaphore, #tpu.memory_space<semaphore_mem>>
        %dma_start3A = arith.constant 0 : i32
        %dma_start3A_20 = tpu.memref_slice %arg8[%while3A_19, %dma_start3A] : memref<94x128xi32, #tpu.memory_space<vmem>> -> memref<1x128xi32, #tpu.memory_space<vmem>>
        %dma_start3A_21 = tpu.memref_squeeze %dma_start3A_20 : memref<1x128xi32, #tpu.memory_space<vmem>> -> memref<128xi32, #tpu.memory_space<vmem>>
        %dma_start3A_22 = arith.constant 0 : i32
        %dma_start3A_23 = arith.constant 0 : i32
        %dma_start3A_24 = tpu.memref_slice %arg10[%dma_start3A_22, %dma_start3A_23] : memref<10112x128xf32, #tpu.memory_space<vmem_shared>> -> memref<10112x128xf32, #tpu.memory_space<vmem_shared>>
        tpu.enqueue_indirect_dma source(%arg9 : memref<128x128xf32, #tpu.memory_space<vmem>>) target(%dma_start3A_24 : memref<10112x128xf32, #tpu.memory_space<vmem_shared>>) offsets(%dma_start3A_21 : memref<128xi32, #tpu.memory_space<vmem>>) semaphore(%run_scoped3A : memref<!tpu.dma_semaphore, #tpu.memory_space<semaphore_mem>>) {add = true}
        %dma_wait3A = arith.constant 0 : i32
        %dma_wait3A_25 = tpu.memref_slice %arg8[%while3A_19, %dma_wait3A] : memref<94x128xi32, #tpu.memory_space<vmem>> -> memref<1x128xi32, #tpu.memory_space<vmem>>
        %dma_wait3A_26 = tpu.memref_squeeze %dma_wait3A_25 : memref<1x128xi32, #tpu.memory_space<vmem>> -> memref<128xi32, #tpu.memory_space<vmem>>
        %dma_wait3A_27 = arith.constant 0 : i32
        %dma_wait3A_28 = arith.constant 0 : i32
        %dma_wait3A_29 = tpu.memref_slice %arg10[%dma_wait3A_27, %dma_wait3A_28] : memref<10112x128xf32, #tpu.memory_space<vmem_shared>> -> memref<10112x128xf32, #tpu.memory_space<vmem_shared>>
        tpu.wait_indirect_dma semaphore(%run_scoped3A : memref<!tpu.dma_semaphore, #tpu.memory_space<semaphore_mem>>) src(%arg9 : memref<128x128xf32, #tpu.memory_space<vmem>>) dst(%dma_wait3A_29 : memref<10112x128xf32, #tpu.memory_space<vmem_shared>>)
        tpu.yield
      }) : () -> ()
    }
    %while3A_13 = arith.constant 1 : i32
    scf.for %while3A_19 = %while3A_11 to %while3A_7 step %while3A_13  : i32 {
      "tpu.region"() ({
        %run_scoped3A = tpu.sem_alloc : memref<!tpu.dma_semaphore, #tpu.memory_space<semaphore_mem>>
        %dma_start3A = arith.constant 0 : i32
        %dma_start3A_20 = tpu.memref_slice %arg7[%while3A_19, %dma_start3A] : memref<94x128xi32, #tpu.memory_space<vmem>> -> memref<1x128xi32, #tpu.memory_space<vmem>>
        %dma_start3A_21 = tpu.memref_squeeze %dma_start3A_20 : memref<1x128xi32, #tpu.memory_space<vmem>> -> memref<128xi32, #tpu.memory_space<vmem>>
        %dma_start3A_22 = arith.constant 0 : i32
        %dma_start3A_23 = arith.constant 0 : i32
        %dma_start3A_24 = tpu.memref_slice %arg2[%dma_start3A_22, %dma_start3A_23] : memref<10112x128xf32, #tpu.memory_space<hbm>> -> memref<10112x128xf32, #tpu.memory_space<hbm>>
        tpu.enqueue_indirect_dma source(%dma_start3A_24 : memref<10112x128xf32, #tpu.memory_space<hbm>>) target(%arg9 : memref<128x128xf32, #tpu.memory_space<vmem>>) offsets(%dma_start3A_21 : memref<128xi32, #tpu.memory_space<vmem>>) semaphore(%run_scoped3A : memref<!tpu.dma_semaphore, #tpu.memory_space<semaphore_mem>>)
        %dma_wait3A = arith.constant 0 : i32
        %dma_wait3A_25 = tpu.memref_slice %arg7[%while3A_19, %dma_wait3A] : memref<94x128xi32, #tpu.memory_space<vmem>> -> memref<1x128xi32, #tpu.memory_space<vmem>>
        %dma_wait3A_26 = tpu.memref_squeeze %dma_wait3A_25 : memref<1x128xi32, #tpu.memory_space<vmem>> -> memref<128xi32, #tpu.memory_space<vmem>>
        %dma_wait3A_27 = arith.constant 0 : i32
        %dma_wait3A_28 = arith.constant 0 : i32
        %dma_wait3A_29 = tpu.memref_slice %arg2[%dma_wait3A_27, %dma_wait3A_28] : memref<10112x128xf32, #tpu.memory_space<hbm>> -> memref<10112x128xf32, #tpu.memory_space<hbm>>
        tpu.wait_indirect_dma semaphore(%run_scoped3A : memref<!tpu.dma_semaphore, #tpu.memory_space<semaphore_mem>>) src(%dma_wait3A_29 : memref<10112x128xf32, #tpu.memory_space<hbm>>) dst(%arg9 : memref<128x128xf32, #tpu.memory_space<vmem>>)
        tpu.yield
      }) : () -> ()
      "tpu.region"() ({
        %run_scoped3A = tpu.sem_alloc : memref<!tpu.dma_semaphore, #tpu.memory_space<semaphore_mem>>
        %dma_start3A = arith.constant 0 : i32
        %dma_start3A_20 = tpu.memref_slice %arg8[%while3A_19, %dma_start3A] : memref<94x128xi32, #tpu.memory_space<vmem>> -> memref<1x128xi32, #tpu.memory_space<vmem>>
        %dma_start3A_21 = tpu.memref_squeeze %dma_start3A_20 : memref<1x128xi32, #tpu.memory_space<vmem>> -> memref<128xi32, #tpu.memory_space<vmem>>
        %dma_start3A_22 = arith.constant 0 : i32
        %dma_start3A_23 = arith.constant 0 : i32
        %dma_start3A_24 = tpu.memref_slice %arg10[%dma_start3A_22, %dma_start3A_23] : memref<10112x128xf32, #tpu.memory_space<vmem_shared>> -> memref<10112x128xf32, #tpu.memory_space<vmem_shared>>
        tpu.enqueue_indirect_dma source(%arg9 : memref<128x128xf32, #tpu.memory_space<vmem>>) target(%dma_start3A_24 : memref<10112x128xf32, #tpu.memory_space<vmem_shared>>) offsets(%dma_start3A_21 : memref<128xi32, #tpu.memory_space<vmem>>) semaphore(%run_scoped3A : memref<!tpu.dma_semaphore, #tpu.memory_space<semaphore_mem>>) {add = true}
        %dma_wait3A = arith.constant 0 : i32
        %dma_wait3A_25 = tpu.memref_slice %arg8[%while3A_19, %dma_wait3A] : memref<94x128xi32, #tpu.memory_space<vmem>> -> memref<1x128xi32, #tpu.memory_space<vmem>>
        %dma_wait3A_26 = tpu.memref_squeeze %dma_wait3A_25 : memref<1x128xi32, #tpu.memory_space<vmem>> -> memref<128xi32, #tpu.memory_space<vmem>>
        %dma_wait3A_27 = arith.constant 0 : i32
        %dma_wait3A_28 = arith.constant 0 : i32
        %dma_wait3A_29 = tpu.memref_slice %arg10[%dma_wait3A_27, %dma_wait3A_28] : memref<10112x128xf32, #tpu.memory_space<vmem_shared>> -> memref<10112x128xf32, #tpu.memory_space<vmem_shared>>
        tpu.wait_indirect_dma semaphore(%run_scoped3A : memref<!tpu.dma_semaphore, #tpu.memory_space<semaphore_mem>>) src(%arg9 : memref<128x128xf32, #tpu.memory_space<vmem>>) dst(%dma_wait3A_29 : memref<10112x128xf32, #tpu.memory_space<vmem_shared>>)
        tpu.yield
      }) : () -> ()
    }
    %barrier3A_14 = arith.constant 0 : index
    tpu.barrier barrier_id(%barrier3A_14)
    %mul3A_15 = arith.constant 632 : i32
    %mul3A_16 = arith.muli %arg1, %mul3A_15 : i32
    %mul3A_17 = arith.constant 632 : i32
    %mul3A_18 = arith.muli %arg1, %mul3A_17 : i32
    "tpu.region"() ({
      %run_scoped3A = tpu.sem_alloc : memref<!tpu.dma_semaphore, #tpu.memory_space<semaphore_mem>>
      %dma_start3A = arith.constant 0 : i32
      %dma_start3A_19 = tpu.memref_slice %arg6[%arg0, %mul3A_18, %dma_start3A] : memref<2x10112x128xf32, #tpu.memory_space<hbm>> -> memref<1x632x128xf32, #tpu.memory_space<hbm>>
      %dma_start3A_20 = tpu.memref_squeeze %dma_start3A_19 : memref<1x632x128xf32, #tpu.memory_space<hbm>> -> memref<632x128xf32, #tpu.memory_space<hbm>>
      %dma_start3A_21 = arith.constant 0 : i32
      %dma_start3A_22 = tpu.memref_slice %arg10[%mul3A_16, %dma_start3A_21] : memref<10112x128xf32, #tpu.memory_space<vmem_shared>> -> memref<632x128xf32, #tpu.memory_space<vmem_shared>>
      tpu.enqueue_dma source(%dma_start3A_22 : memref<632x128xf32, #tpu.memory_space<vmem_shared>>) target(%dma_start3A_20 : memref<632x128xf32, #tpu.memory_space<hbm>>) target_semaphore(%run_scoped3A : memref<!tpu.dma_semaphore, #tpu.memory_space<semaphore_mem>>)
      %dma_wait3A = arith.constant 0 : i32
      %dma_wait3A_23 = tpu.memref_slice %arg6[%arg0, %mul3A_18, %dma_wait3A] : memref<2x10112x128xf32, #tpu.memory_space<hbm>> -> memref<1x632x128xf32, #tpu.memory_space<hbm>>
      %dma_wait3A_24 = tpu.memref_squeeze %dma_wait3A_23 : memref<1x632x128xf32, #tpu.memory_space<hbm>> -> memref<632x128xf32, #tpu.memory_space<hbm>>
      %dma_wait3A_25 = arith.constant 0 : i32
      %dma_wait3A_26 = tpu.memref_slice %arg10[%mul3A_16, %dma_wait3A_25] : memref<10112x128xf32, #tpu.memory_space<vmem_shared>> -> memref<632x128xf32, #tpu.memory_space<vmem_shared>>
      tpu.wait_dma2 semaphore(%run_scoped3A : memref<!tpu.dma_semaphore, #tpu.memory_space<semaphore_mem>>) src(%dma_wait3A_26 : memref<632x128xf32, #tpu.memory_space<vmem_shared>>) dst(%dma_wait3A_24 : memref<632x128xf32, #tpu.memory_space<hbm>>)
      tpu.yield
    }) : () -> ()
    return
  }
}

#map = affine_map<(d0, d1) -> (0, 0)>
#map1 = affine_map<(d0, d1) -> (0, 0, 0)>
module attributes {stable_mosaic.version = 14 : i64} {
  func.func @spmm(%arg0: i32, %arg1: i32, %arg2: memref<10112x128xf32, #tpu.memory_space<hbm>>, %arg3: memref<32x94x128xi32, #tpu.memory_space<hbm>>, %arg4: memref<32x94x128xi32, #tpu.memory_space<hbm>>, %arg5: memref<632x128xf32, #tpu.memory_space<hbm>>, %arg6: memref<2x10112x128xf32, #tpu.memory_space<hbm>>, %arg7: memref<94x128xi32, #tpu.memory_space<vmem>>, %arg8: memref<94x128xi32, #tpu.memory_space<vmem>>, %arg9: memref<128x128xf32, #tpu.memory_space<vmem>>, %arg10: memref<10112x128xf32, #tpu.memory_space<vmem_shared>>) attributes {dimension_semantics = [#tpu.dimension_semantics<core_parallel>, #tpu.dimension_semantics<subcore_parallel>], iteration_bounds = array<i64: 2, 16>, scalar_prefetch = 0 : i64, scratch_operands = 4 : i64, tpu.core_type = #tpu.core_type<sc_vector_subcore>, window_params = [{transform_indices = #map}, {transform_indices = #map1}, {transform_indices = #map1}, {transform_indices = #map}, {transform_indices = #map1}]} {
    %mul3A = arith.constant 2 : i32
    %mul3A_0 = arith.muli %arg1, %mul3A : i32
    %add3A = arith.addi %mul3A_0, %arg0 : i32
    %eq3A = arith.constant 0 : i32
    %eq3A_1 = arith.cmpi eq, %arg0, %eq3A : i32
    %jit3A = arith.constant 94 : i32
    %jit3A_2 = arith.constant 63 : i32
    %select_n3A = arith.select %eq3A_1, %jit3A, %jit3A_2 : i32
    %mul3A_3 = arith.constant 632 : i32
    %mul3A_4 = arith.muli %arg1, %mul3A_3 : i32
    "tpu.region"() ({
      %run_scoped3A = tpu.sem_alloc : memref<!tpu.dma_semaphore, #tpu.memory_space<semaphore_mem>>
      %dma_start3A = arith.constant 0 : i32
      %dma_start3A_19 = tpu.memref_slice %arg10[%mul3A_4, %dma_start3A] : memref<10112x128xf32, #tpu.memory_space<vmem_shared>> -> memref<632x128xf32, #tpu.memory_space<vmem_shared>>
      tpu.enqueue_dma source(%arg5 : memref<632x128xf32, #tpu.memory_space<hbm>>) target(%dma_start3A_19 : memref<632x128xf32, #tpu.memory_space<vmem_shared>>) target_semaphore(%run_scoped3A : memref<!tpu.dma_semaphore, #tpu.memory_space<semaphore_mem>>)
      %dma_wait3A = arith.constant 0 : i32
      %dma_wait3A_20 = tpu.memref_slice %arg10[%mul3A_4, %dma_wait3A] : memref<10112x128xf32, #tpu.memory_space<vmem_shared>> -> memref<632x128xf32, #tpu.memory_space<vmem_shared>>
      tpu.wait_dma2 semaphore(%run_scoped3A : memref<!tpu.dma_semaphore, #tpu.memory_space<semaphore_mem>>) src(%arg5 : memref<632x128xf32, #tpu.memory_space<hbm>>) dst(%dma_wait3A_20 : memref<632x128xf32, #tpu.memory_space<vmem_shared>>)
      tpu.yield
    }) : () -> ()
    "tpu.region"() ({
      %run_scoped3A = tpu.sem_alloc : memref<!tpu.dma_semaphore, #tpu.memory_space<semaphore_mem>>
      %dma_start3A = arith.constant 0 : i32
      %dma_start3A_19 = arith.constant 0 : i32
      %dma_start3A_20 = tpu.memref_slice %arg3[%add3A, %dma_start3A, %dma_start3A_19] : memref<32x94x128xi32, #tpu.memory_space<hbm>> -> memref<1x94x128xi32, #tpu.memory_space<hbm>>
      %dma_start3A_21 = tpu.memref_squeeze %dma_start3A_20 : memref<1x94x128xi32, #tpu.memory_space<hbm>> -> memref<94x128xi32, #tpu.memory_space<hbm>>
      %dma_start3A_22 = arith.constant 0 : i32
      %dma_start3A_23 = arith.constant 0 : i32
      %dma_start3A_24 = tpu.memref_slice %arg3[%add3A, %dma_start3A_22, %dma_start3A_23] : memref<32x94x128xi32, #tpu.memory_space<hbm>> -> memref<1x94x128xi32, #tpu.memory_space<hbm>>
      %dma_start3A_25 = tpu.memref_squeeze %dma_start3A_24 : memref<1x94x128xi32, #tpu.memory_space<hbm>> -> memref<94x128xi32, #tpu.memory_space<hbm>>
      tpu.enqueue_dma source(%dma_start3A_25 : memref<94x128xi32, #tpu.memory_space<hbm>>) target(%arg7 : memref<94x128xi32, #tpu.memory_space<vmem>>) target_semaphore(%run_scoped3A : memref<!tpu.dma_semaphore, #tpu.memory_space<semaphore_mem>>)
      %dma_wait3A = arith.constant 0 : i32
      %dma_wait3A_26 = arith.constant 0 : i32
      %dma_wait3A_27 = tpu.memref_slice %arg3[%add3A, %dma_wait3A, %dma_wait3A_26] : memref<32x94x128xi32, #tpu.memory_space<hbm>> -> memref<1x94x128xi32, #tpu.memory_space<hbm>>
      %dma_wait3A_28 = tpu.memref_squeeze %dma_wait3A_27 : memref<1x94x128xi32, #tpu.memory_space<hbm>> -> memref<94x128xi32, #tpu.memory_space<hbm>>
      %dma_wait3A_29 = arith.constant 0 : i32
      %dma_wait3A_30 = arith.constant 0 : i32
      %dma_wait3A_31 = tpu.memref_slice %arg3[%add3A, %dma_wait3A_29, %dma_wait3A_30] : memref<32x94x128xi32, #tpu.memory_space<hbm>> -> memref<1x94x128xi32, #tpu.memory_space<hbm>>
      %dma_wait3A_32 = tpu.memref_squeeze %dma_wait3A_31 : memref<1x94x128xi32, #tpu.memory_space<hbm>> -> memref<94x128xi32, #tpu.memory_space<hbm>>
      tpu.wait_dma2 semaphore(%run_scoped3A : memref<!tpu.dma_semaphore, #tpu.memory_space<semaphore_mem>>) src(%dma_wait3A_32 : memref<94x128xi32, #tpu.memory_space<hbm>>) dst(%arg7 : memref<94x128xi32, #tpu.memory_space<vmem>>)
      tpu.yield
    }) : () -> ()
    "tpu.region"() ({
      %run_scoped3A = tpu.sem_alloc : memref<!tpu.dma_semaphore, #tpu.memory_space<semaphore_mem>>
      %dma_start3A = arith.constant 0 : i32
      %dma_start3A_19 = arith.constant 0 : i32
      %dma_start3A_20 = tpu.memref_slice %arg4[%add3A, %dma_start3A, %dma_start3A_19] : memref<32x94x128xi32, #tpu.memory_space<hbm>> -> memref<1x94x128xi32, #tpu.memory_space<hbm>>
      %dma_start3A_21 = tpu.memref_squeeze %dma_start3A_20 : memref<1x94x128xi32, #tpu.memory_space<hbm>> -> memref<94x128xi32, #tpu.memory_space<hbm>>
      %dma_start3A_22 = arith.constant 0 : i32
      %dma_start3A_23 = arith.constant 0 : i32
      %dma_start3A_24 = tpu.memref_slice %arg4[%add3A, %dma_start3A_22, %dma_start3A_23] : memref<32x94x128xi32, #tpu.memory_space<hbm>> -> memref<1x94x128xi32, #tpu.memory_space<hbm>>
      %dma_start3A_25 = tpu.memref_squeeze %dma_start3A_24 : memref<1x94x128xi32, #tpu.memory_space<hbm>> -> memref<94x128xi32, #tpu.memory_space<hbm>>
      tpu.enqueue_dma source(%dma_start3A_25 : memref<94x128xi32, #tpu.memory_space<hbm>>) target(%arg8 : memref<94x128xi32, #tpu.memory_space<vmem>>) target_semaphore(%run_scoped3A : memref<!tpu.dma_semaphore, #tpu.memory_space<semaphore_mem>>)
      %dma_wait3A = arith.constant 0 : i32
      %dma_wait3A_26 = arith.constant 0 : i32
      %dma_wait3A_27 = tpu.memref_slice %arg4[%add3A, %dma_wait3A, %dma_wait3A_26] : memref<32x94x128xi32, #tpu.memory_space<hbm>> -> memref<1x94x128xi32, #tpu.memory_space<hbm>>
      %dma_wait3A_28 = tpu.memref_squeeze %dma_wait3A_27 : memref<1x94x128xi32, #tpu.memory_space<hbm>> -> memref<94x128xi32, #tpu.memory_space<hbm>>
      %dma_wait3A_29 = arith.constant 0 : i32
      %dma_wait3A_30 = arith.constant 0 : i32
      %dma_wait3A_31 = tpu.memref_slice %arg4[%add3A, %dma_wait3A_29, %dma_wait3A_30] : memref<32x94x128xi32, #tpu.memory_space<hbm>> -> memref<1x94x128xi32, #tpu.memory_space<hbm>>
      %dma_wait3A_32 = tpu.memref_squeeze %dma_wait3A_31 : memref<1x94x128xi32, #tpu.memory_space<hbm>> -> memref<94x128xi32, #tpu.memory_space<hbm>>
      tpu.wait_dma2 semaphore(%run_scoped3A : memref<!tpu.dma_semaphore, #tpu.memory_space<semaphore_mem>>) src(%dma_wait3A_32 : memref<94x128xi32, #tpu.memory_space<hbm>>) dst(%arg8 : memref<94x128xi32, #tpu.memory_space<vmem>>)
      tpu.yield
    }) : () -> ()
    %barrier3A = arith.constant 0 : index
    tpu.barrier barrier_id(%barrier3A)
    %while3A = arith.constant 0 : i32
    %while3A_5 = arith.constant 0 : i32
    %while3A_6 = arith.subi %select_n3A, %while3A_5 : i32
    %while3A_7 = arith.addi %while3A_5, %while3A_6 : i32
    %while3A_8 = arith.constant 1 : i32
    %while3A_9 = arith.divsi %while3A_6, %while3A_8 : i32
    %while3A_10 = arith.muli %while3A_9, %while3A_8 : i32
    %while3A_11 = arith.addi %while3A_5, %while3A_10 : i32
    %while3A_12 = arith.constant 1 : i32
    scf.for %while3A_19 = %while3A_5 to %while3A_11 step %while3A_12  : i32 {
      "tpu.region"() ({
        %run_scoped3A = tpu.sem_alloc : memref<!tpu.dma_semaphore, #tpu.memory_space<semaphore_mem>>
        %dma_start3A = arith.constant 0 : i32
        %dma_start3A_20 = tpu.memref_slice %arg7[%while3A_19, %dma_start3A] : memref<94x128xi32, #tpu.memory_space<vmem>> -> memref<1x128xi32, #tpu.memory_space<vmem>>
        %dma_start3A_21 = tpu.memref_squeeze %dma_start3A_20 : memref<1x128xi32, #tpu.memory_space<vmem>> -> memref<128xi32, #tpu.memory_space<vmem>>
        %dma_start3A_22 = arith.constant 0 : i32
        %dma_start3A_23 = arith.constant 0 : i32
        %dma_start3A_24 = tpu.memref_slice %arg2[%dma_start3A_22, %dma_start3A_23] : memref<10112x128xf32, #tpu.memory_space<hbm>> -> memref<10112x128xf32, #tpu.memory_space<hbm>>
        tpu.enqueue_indirect_dma source(%dma_start3A_24 : memref<10112x128xf32, #tpu.memory_space<hbm>>) target(%arg9 : memref<128x128xf32, #tpu.memory_space<vmem>>) offsets(%dma_start3A_21 : memref<128xi32, #tpu.memory_space<vmem>>) semaphore(%run_scoped3A : memref<!tpu.dma_semaphore, #tpu.memory_space<semaphore_mem>>)
        %dma_wait3A = arith.constant 0 : i32
        %dma_wait3A_25 = tpu.memref_slice %arg7[%while3A_19, %dma_wait3A] : memref<94x128xi32, #tpu.memory_space<vmem>> -> memref<1x128xi32, #tpu.memory_space<vmem>>
        %dma_wait3A_26 = tpu.memref_squeeze %dma_wait3A_25 : memref<1x128xi32, #tpu.memory_space<vmem>> -> memref<128xi32, #tpu.memory_space<vmem>>
        %dma_wait3A_27 = arith.constant 0 : i32
        %dma_wait3A_28 = arith.constant 0 : i32
        %dma_wait3A_29 = tpu.memref_slice %arg2[%dma_wait3A_27, %dma_wait3A_28] : memref<10112x128xf32, #tpu.memory_space<hbm>> -> memref<10112x128xf32, #tpu.memory_space<hbm>>
        tpu.wait_indirect_dma semaphore(%run_scoped3A : memref<!tpu.dma_semaphore, #tpu.memory_space<semaphore_mem>>) src(%dma_wait3A_29 : memref<10112x128xf32, #tpu.memory_space<hbm>>) dst(%arg9 : memref<128x128xf32, #tpu.memory_space<vmem>>)
        tpu.yield
      }) : () -> ()
      "tpu.region"() ({
        %run_scoped3A = tpu.sem_alloc : memref<!tpu.dma_semaphore, #tpu.memory_space<semaphore_mem>>
        %dma_start3A = arith.constant 0 : i32
        %dma_start3A_20 = tpu.memref_slice %arg8[%while3A_19, %dma_start3A] : memref<94x128xi32, #tpu.memory_space<vmem>> -> memref<1x128xi32, #tpu.memory_space<vmem>>
        %dma_start3A_21 = tpu.memref_squeeze %dma_start3A_20 : memref<1x128xi32, #tpu.memory_space<vmem>> -> memref<128xi32, #tpu.memory_space<vmem>>
        %dma_start3A_22 = arith.constant 0 : i32
        %dma_start3A_23 = arith.constant 0 : i32
        %dma_start3A_24 = tpu.memref_slice %arg10[%dma_start3A_22, %dma_start3A_23] : memref<10112x128xf32, #tpu.memory_space<vmem_shared>> -> memref<10112x128xf32, #tpu.memory_space<vmem_shared>>
        tpu.enqueue_indirect_dma source(%arg9 : memref<128x128xf32, #tpu.memory_space<vmem>>) target(%dma_start3A_24 : memref<10112x128xf32, #tpu.memory_space<vmem_shared>>) offsets(%dma_start3A_21 : memref<128xi32, #tpu.memory_space<vmem>>) semaphore(%run_scoped3A : memref<!tpu.dma_semaphore, #tpu.memory_space<semaphore_mem>>) {add = true}
        %dma_wait3A = arith.constant 0 : i32
        %dma_wait3A_25 = tpu.memref_slice %arg8[%while3A_19, %dma_wait3A] : memref<94x128xi32, #tpu.memory_space<vmem>> -> memref<1x128xi32, #tpu.memory_space<vmem>>
        %dma_wait3A_26 = tpu.memref_squeeze %dma_wait3A_25 : memref<1x128xi32, #tpu.memory_space<vmem>> -> memref<128xi32, #tpu.memory_space<vmem>>
        %dma_wait3A_27 = arith.constant 0 : i32
        %dma_wait3A_28 = arith.constant 0 : i32
        %dma_wait3A_29 = tpu.memref_slice %arg10[%dma_wait3A_27, %dma_wait3A_28] : memref<10112x128xf32, #tpu.memory_space<vmem_shared>> -> memref<10112x128xf32, #tpu.memory_space<vmem_shared>>
        tpu.wait_indirect_dma semaphore(%run_scoped3A : memref<!tpu.dma_semaphore, #tpu.memory_space<semaphore_mem>>) src(%arg9 : memref<128x128xf32, #tpu.memory_space<vmem>>) dst(%dma_wait3A_29 : memref<10112x128xf32, #tpu.memory_space<vmem_shared>>)
        tpu.yield
      }) : () -> ()
    }
    %while3A_13 = arith.constant 1 : i32
    scf.for %while3A_19 = %while3A_11 to %while3A_7 step %while3A_13  : i32 {
      "tpu.region"() ({
        %run_scoped3A = tpu.sem_alloc : memref<!tpu.dma_semaphore, #tpu.memory_space<semaphore_mem>>
        %dma_start3A = arith.constant 0 : i32
        %dma_start3A_20 = tpu.memref_slice %arg7[%while3A_19, %dma_start3A] : memref<94x128xi32, #tpu.memory_space<vmem>> -> memref<1x128xi32, #tpu.memory_space<vmem>>
        %dma_start3A_21 = tpu.memref_squeeze %dma_start3A_20 : memref<1x128xi32, #tpu.memory_space<vmem>> -> memref<128xi32, #tpu.memory_space<vmem>>
        %dma_start3A_22 = arith.constant 0 : i32
        %dma_start3A_23 = arith.constant 0 : i32
        %dma_start3A_24 = tpu.memref_slice %arg2[%dma_start3A_22, %dma_start3A_23] : memref<10112x128xf32, #tpu.memory_space<hbm>> -> memref<10112x128xf32, #tpu.memory_space<hbm>>
        tpu.enqueue_indirect_dma source(%dma_start3A_24 : memref<10112x128xf32, #tpu.memory_space<hbm>>) target(%arg9 : memref<128x128xf32, #tpu.memory_space<vmem>>) offsets(%dma_start3A_21 : memref<128xi32, #tpu.memory_space<vmem>>) semaphore(%run_scoped3A : memref<!tpu.dma_semaphore, #tpu.memory_space<semaphore_mem>>)
        %dma_wait3A = arith.constant 0 : i32
        %dma_wait3A_25 = tpu.memref_slice %arg7[%while3A_19, %dma_wait3A] : memref<94x128xi32, #tpu.memory_space<vmem>> -> memref<1x128xi32, #tpu.memory_space<vmem>>
        %dma_wait3A_26 = tpu.memref_squeeze %dma_wait3A_25 : memref<1x128xi32, #tpu.memory_space<vmem>> -> memref<128xi32, #tpu.memory_space<vmem>>
        %dma_wait3A_27 = arith.constant 0 : i32
        %dma_wait3A_28 = arith.constant 0 : i32
        %dma_wait3A_29 = tpu.memref_slice %arg2[%dma_wait3A_27, %dma_wait3A_28] : memref<10112x128xf32, #tpu.memory_space<hbm>> -> memref<10112x128xf32, #tpu.memory_space<hbm>>
        tpu.wait_indirect_dma semaphore(%run_scoped3A : memref<!tpu.dma_semaphore, #tpu.memory_space<semaphore_mem>>) src(%dma_wait3A_29 : memref<10112x128xf32, #tpu.memory_space<hbm>>) dst(%arg9 : memref<128x128xf32, #tpu.memory_space<vmem>>)
        tpu.yield
      }) : () -> ()
      "tpu.region"() ({
        %run_scoped3A = tpu.sem_alloc : memref<!tpu.dma_semaphore, #tpu.memory_space<semaphore_mem>>
        %dma_start3A = arith.constant 0 : i32
        %dma_start3A_20 = tpu.memref_slice %arg8[%while3A_19, %dma_start3A] : memref<94x128xi32, #tpu.memory_space<vmem>> -> memref<1x128xi32, #tpu.memory_space<vmem>>
        %dma_start3A_21 = tpu.memref_squeeze %dma_start3A_20 : memref<1x128xi32, #tpu.memory_space<vmem>> -> memref<128xi32, #tpu.memory_space<vmem>>
        %dma_start3A_22 = arith.constant 0 : i32
        %dma_start3A_23 = arith.constant 0 : i32
        %dma_start3A_24 = tpu.memref_slice %arg10[%dma_start3A_22, %dma_start3A_23] : memref<10112x128xf32, #tpu.memory_space<vmem_shared>> -> memref<10112x128xf32, #tpu.memory_space<vmem_shared>>
        tpu.enqueue_indirect_dma source(%arg9 : memref<128x128xf32, #tpu.memory_space<vmem>>) target(%dma_start3A_24 : memref<10112x128xf32, #tpu.memory_space<vmem_shared>>) offsets(%dma_start3A_21 : memref<128xi32, #tpu.memory_space<vmem>>) semaphore(%run_scoped3A : memref<!tpu.dma_semaphore, #tpu.memory_space<semaphore_mem>>) {add = true}
        %dma_wait3A = arith.constant 0 : i32
        %dma_wait3A_25 = tpu.memref_slice %arg8[%while3A_19, %dma_wait3A] : memref<94x128xi32, #tpu.memory_space<vmem>> -> memref<1x128xi32, #tpu.memory_space<vmem>>
        %dma_wait3A_26 = tpu.memref_squeeze %dma_wait3A_25 : memref<1x128xi32, #tpu.memory_space<vmem>> -> memref<128xi32, #tpu.memory_space<vmem>>
        %dma_wait3A_27 = arith.constant 0 : i32
        %dma_wait3A_28 = arith.constant 0 : i32
        %dma_wait3A_29 = tpu.memref_slice %arg10[%dma_wait3A_27, %dma_wait3A_28] : memref<10112x128xf32, #tpu.memory_space<vmem_shared>> -> memref<10112x128xf32, #tpu.memory_space<vmem_shared>>
        tpu.wait_indirect_dma semaphore(%run_scoped3A : memref<!tpu.dma_semaphore, #tpu.memory_space<semaphore_mem>>) src(%arg9 : memref<128x128xf32, #tpu.memory_space<vmem>>) dst(%dma_wait3A_29 : memref<10112x128xf32, #tpu.memory_space<vmem_shared>>)
        tpu.yield
      }) : () -> ()
    }
    %barrier3A_14 = arith.constant 0 : index
    tpu.barrier barrier_id(%barrier3A_14)
    %mul3A_15 = arith.constant 632 : i32
    %mul3A_16 = arith.muli %arg1, %mul3A_15 : i32
    %mul3A_17 = arith.constant 632 : i32
    %mul3A_18 = arith.muli %arg1, %mul3A_17 : i32
    "tpu.region"() ({
      %run_scoped3A = tpu.sem_alloc : memref<!tpu.dma_semaphore, #tpu.memory_space<semaphore_mem>>
      %dma_start3A = arith.constant 0 : i32
      %dma_start3A_19 = tpu.memref_slice %arg6[%arg0, %mul3A_18, %dma_start3A] : memref<2x10112x128xf32, #tpu.memory_space<hbm>> -> memref<1x632x128xf32, #tpu.memory_space<hbm>>
      %dma_start3A_20 = tpu.memref_squeeze %dma_start3A_19 : memref<1x632x128xf32, #tpu.memory_space<hbm>> -> memref<632x128xf32, #tpu.memory_space<hbm>>
      %dma_start3A_21 = arith.constant 0 : i32
      %dma_start3A_22 = tpu.memref_slice %arg10[%mul3A_16, %dma_start3A_21] : memref<10112x128xf32, #tpu.memory_space<vmem_shared>> -> memref<632x128xf32, #tpu.memory_space<vmem_shared>>
      tpu.enqueue_dma source(%dma_start3A_22 : memref<632x128xf32, #tpu.memory_space<vmem_shared>>) target(%dma_start3A_20 : memref<632x128xf32, #tpu.memory_space<hbm>>) target_semaphore(%run_scoped3A : memref<!tpu.dma_semaphore, #tpu.memory_space<semaphore_mem>>)
      %dma_wait3A = arith.constant 0 : i32
      %dma_wait3A_23 = tpu.memref_slice %arg6[%arg0, %mul3A_18, %dma_wait3A] : memref<2x10112x128xf32, #tpu.memory_space<hbm>> -> memref<1x632x128xf32, #tpu.memory_space<hbm>>
      %dma_wait3A_24 = tpu.memref_squeeze %dma_wait3A_23 : memref<1x632x128xf32, #tpu.memory_space<hbm>> -> memref<632x128xf32, #tpu.memory_space<hbm>>
      %dma_wait3A_25 = arith.constant 0 : i32
      %dma_wait3A_26 = tpu.memref_slice %arg10[%mul3A_16, %dma_wait3A_25] : memref<10112x128xf32, #tpu.memory_space<vmem_shared>> -> memref<632x128xf32, #tpu.memory_space<vmem_shared>>
      tpu.wait_dma2 semaphore(%run_scoped3A : memref<!tpu.dma_semaphore, #tpu.memory_space<semaphore_mem>>) src(%dma_wait3A_26 : memref<632x128xf32, #tpu.memory_space<vmem_shared>>) dst(%dma_wait3A_24 : memref<632x128xf32, #tpu.memory_space<hbm>>)
      tpu.yield
    }) : () -> ()
    return
  }
}

#map = affine_map<(d0, d1) -> (0, 0)>
#map1 = affine_map<(d0, d1) -> (0, 0, 0)>
module attributes {stable_mosaic.version = 14 : i64} {
  func.func @spmm(%arg0: i32, %arg1: i32, %arg2: memref<10112x128xf32, #tpu.memory_space<hbm>>, %arg3: memref<32x94x128xi32, #tpu.memory_space<hbm>>, %arg4: memref<32x94x128xi32, #tpu.memory_space<hbm>>, %arg5: memref<632x128xf32, #tpu.memory_space<hbm>>, %arg6: memref<2x10112x128xf32, #tpu.memory_space<hbm>>, %arg7: memref<94x128xi32, #tpu.memory_space<vmem>>, %arg8: memref<94x128xi32, #tpu.memory_space<vmem>>, %arg9: memref<128x128xf32, #tpu.memory_space<vmem>>, %arg10: memref<10112x128xf32, #tpu.memory_space<vmem_shared>>) attributes {dimension_semantics = [#tpu.dimension_semantics<core_parallel>, #tpu.dimension_semantics<subcore_parallel>], iteration_bounds = array<i64: 2, 16>, scalar_prefetch = 0 : i64, scratch_operands = 4 : i64, tpu.core_type = #tpu.core_type<sc_vector_subcore>, window_params = [{transform_indices = #map}, {transform_indices = #map1}, {transform_indices = #map1}, {transform_indices = #map}, {transform_indices = #map1}]} {
    %mul3A = arith.constant 2 : i32
    %mul3A_0 = arith.muli %arg1, %mul3A : i32
    %add3A = arith.addi %mul3A_0, %arg0 : i32
    %eq3A = arith.constant 0 : i32
    %eq3A_1 = arith.cmpi eq, %arg0, %eq3A : i32
    %jit3A = arith.constant 94 : i32
    %jit3A_2 = arith.constant 63 : i32
    %select_n3A = arith.select %eq3A_1, %jit3A, %jit3A_2 : i32
    %mul3A_3 = arith.constant 632 : i32
    %mul3A_4 = arith.muli %arg1, %mul3A_3 : i32
    "tpu.region"() ({
      %run_scoped3A = tpu.sem_alloc : memref<!tpu.dma_semaphore, #tpu.memory_space<semaphore_mem>>
      %dma_start3A = arith.constant 0 : i32
      %dma_start3A_19 = tpu.memref_slice %arg10[%mul3A_4, %dma_start3A] : memref<10112x128xf32, #tpu.memory_space<vmem_shared>> -> memref<632x128xf32, #tpu.memory_space<vmem_shared>>
      tpu.enqueue_dma source(%arg5 : memref<632x128xf32, #tpu.memory_space<hbm>>) target(%dma_start3A_19 : memref<632x128xf32, #tpu.memory_space<vmem_shared>>) target_semaphore(%run_scoped3A : memref<!tpu.dma_semaphore, #tpu.memory_space<semaphore_mem>>)
      %dma_wait3A = arith.constant 0 : i32
      %dma_wait3A_20 = tpu.memref_slice %arg10[%mul3A_4, %dma_wait3A] : memref<10112x128xf32, #tpu.memory_space<vmem_shared>> -> memref<632x128xf32, #tpu.memory_space<vmem_shared>>
      tpu.wait_dma2 semaphore(%run_scoped3A : memref<!tpu.dma_semaphore, #tpu.memory_space<semaphore_mem>>) src(%arg5 : memref<632x128xf32, #tpu.memory_space<hbm>>) dst(%dma_wait3A_20 : memref<632x128xf32, #tpu.memory_space<vmem_shared>>)
      tpu.yield
    }) : () -> ()
    "tpu.region"() ({
      %run_scoped3A = tpu.sem_alloc : memref<!tpu.dma_semaphore, #tpu.memory_space<semaphore_mem>>
      %dma_start3A = arith.constant 0 : i32
      %dma_start3A_19 = arith.constant 0 : i32
      %dma_start3A_20 = tpu.memref_slice %arg3[%add3A, %dma_start3A, %dma_start3A_19] : memref<32x94x128xi32, #tpu.memory_space<hbm>> -> memref<1x94x128xi32, #tpu.memory_space<hbm>>
      %dma_start3A_21 = tpu.memref_squeeze %dma_start3A_20 : memref<1x94x128xi32, #tpu.memory_space<hbm>> -> memref<94x128xi32, #tpu.memory_space<hbm>>
      %dma_start3A_22 = arith.constant 0 : i32
      %dma_start3A_23 = arith.constant 0 : i32
      %dma_start3A_24 = tpu.memref_slice %arg3[%add3A, %dma_start3A_22, %dma_start3A_23] : memref<32x94x128xi32, #tpu.memory_space<hbm>> -> memref<1x94x128xi32, #tpu.memory_space<hbm>>
      %dma_start3A_25 = tpu.memref_squeeze %dma_start3A_24 : memref<1x94x128xi32, #tpu.memory_space<hbm>> -> memref<94x128xi32, #tpu.memory_space<hbm>>
      tpu.enqueue_dma source(%dma_start3A_25 : memref<94x128xi32, #tpu.memory_space<hbm>>) target(%arg7 : memref<94x128xi32, #tpu.memory_space<vmem>>) target_semaphore(%run_scoped3A : memref<!tpu.dma_semaphore, #tpu.memory_space<semaphore_mem>>)
      %dma_wait3A = arith.constant 0 : i32
      %dma_wait3A_26 = arith.constant 0 : i32
      %dma_wait3A_27 = tpu.memref_slice %arg3[%add3A, %dma_wait3A, %dma_wait3A_26] : memref<32x94x128xi32, #tpu.memory_space<hbm>> -> memref<1x94x128xi32, #tpu.memory_space<hbm>>
      %dma_wait3A_28 = tpu.memref_squeeze %dma_wait3A_27 : memref<1x94x128xi32, #tpu.memory_space<hbm>> -> memref<94x128xi32, #tpu.memory_space<hbm>>
      %dma_wait3A_29 = arith.constant 0 : i32
      %dma_wait3A_30 = arith.constant 0 : i32
      %dma_wait3A_31 = tpu.memref_slice %arg3[%add3A, %dma_wait3A_29, %dma_wait3A_30] : memref<32x94x128xi32, #tpu.memory_space<hbm>> -> memref<1x94x128xi32, #tpu.memory_space<hbm>>
      %dma_wait3A_32 = tpu.memref_squeeze %dma_wait3A_31 : memref<1x94x128xi32, #tpu.memory_space<hbm>> -> memref<94x128xi32, #tpu.memory_space<hbm>>
      tpu.wait_dma2 semaphore(%run_scoped3A : memref<!tpu.dma_semaphore, #tpu.memory_space<semaphore_mem>>) src(%dma_wait3A_32 : memref<94x128xi32, #tpu.memory_space<hbm>>) dst(%arg7 : memref<94x128xi32, #tpu.memory_space<vmem>>)
      tpu.yield
    }) : () -> ()
    "tpu.region"() ({
      %run_scoped3A = tpu.sem_alloc : memref<!tpu.dma_semaphore, #tpu.memory_space<semaphore_mem>>
      %dma_start3A = arith.constant 0 : i32
      %dma_start3A_19 = arith.constant 0 : i32
      %dma_start3A_20 = tpu.memref_slice %arg4[%add3A, %dma_start3A, %dma_start3A_19] : memref<32x94x128xi32, #tpu.memory_space<hbm>> -> memref<1x94x128xi32, #tpu.memory_space<hbm>>
      %dma_start3A_21 = tpu.memref_squeeze %dma_start3A_20 : memref<1x94x128xi32, #tpu.memory_space<hbm>> -> memref<94x128xi32, #tpu.memory_space<hbm>>
      %dma_start3A_22 = arith.constant 0 : i32
      %dma_start3A_23 = arith.constant 0 : i32
      %dma_start3A_24 = tpu.memref_slice %arg4[%add3A, %dma_start3A_22, %dma_start3A_23] : memref<32x94x128xi32, #tpu.memory_space<hbm>> -> memref<1x94x128xi32, #tpu.memory_space<hbm>>
      %dma_start3A_25 = tpu.memref_squeeze %dma_start3A_24 : memref<1x94x128xi32, #tpu.memory_space<hbm>> -> memref<94x128xi32, #tpu.memory_space<hbm>>
      tpu.enqueue_dma source(%dma_start3A_25 : memref<94x128xi32, #tpu.memory_space<hbm>>) target(%arg8 : memref<94x128xi32, #tpu.memory_space<vmem>>) target_semaphore(%run_scoped3A : memref<!tpu.dma_semaphore, #tpu.memory_space<semaphore_mem>>)
      %dma_wait3A = arith.constant 0 : i32
      %dma_wait3A_26 = arith.constant 0 : i32
      %dma_wait3A_27 = tpu.memref_slice %arg4[%add3A, %dma_wait3A, %dma_wait3A_26] : memref<32x94x128xi32, #tpu.memory_space<hbm>> -> memref<1x94x128xi32, #tpu.memory_space<hbm>>
      %dma_wait3A_28 = tpu.memref_squeeze %dma_wait3A_27 : memref<1x94x128xi32, #tpu.memory_space<hbm>> -> memref<94x128xi32, #tpu.memory_space<hbm>>
      %dma_wait3A_29 = arith.constant 0 : i32
      %dma_wait3A_30 = arith.constant 0 : i32
      %dma_wait3A_31 = tpu.memref_slice %arg4[%add3A, %dma_wait3A_29, %dma_wait3A_30] : memref<32x94x128xi32, #tpu.memory_space<hbm>> -> memref<1x94x128xi32, #tpu.memory_space<hbm>>
      %dma_wait3A_32 = tpu.memref_squeeze %dma_wait3A_31 : memref<1x94x128xi32, #tpu.memory_space<hbm>> -> memref<94x128xi32, #tpu.memory_space<hbm>>
      tpu.wait_dma2 semaphore(%run_scoped3A : memref<!tpu.dma_semaphore, #tpu.memory_space<semaphore_mem>>) src(%dma_wait3A_32 : memref<94x128xi32, #tpu.memory_space<hbm>>) dst(%arg8 : memref<94x128xi32, #tpu.memory_space<vmem>>)
      tpu.yield
    }) : () -> ()
    %barrier3A = arith.constant 0 : index
    tpu.barrier barrier_id(%barrier3A)
    %while3A = arith.constant 0 : i32
    %while3A_5 = arith.constant 0 : i32
    %while3A_6 = arith.subi %select_n3A, %while3A_5 : i32
    %while3A_7 = arith.addi %while3A_5, %while3A_6 : i32
    %while3A_8 = arith.constant 1 : i32
    %while3A_9 = arith.divsi %while3A_6, %while3A_8 : i32
    %while3A_10 = arith.muli %while3A_9, %while3A_8 : i32
    %while3A_11 = arith.addi %while3A_5, %while3A_10 : i32
    %while3A_12 = arith.constant 1 : i32
    scf.for %while3A_19 = %while3A_5 to %while3A_11 step %while3A_12  : i32 {
      "tpu.region"() ({
        %run_scoped3A = tpu.sem_alloc : memref<!tpu.dma_semaphore, #tpu.memory_space<semaphore_mem>>
        %dma_start3A = arith.constant 0 : i32
        %dma_start3A_20 = tpu.memref_slice %arg7[%while3A_19, %dma_start3A] : memref<94x128xi32, #tpu.memory_space<vmem>> -> memref<1x128xi32, #tpu.memory_space<vmem>>
        %dma_start3A_21 = tpu.memref_squeeze %dma_start3A_20 : memref<1x128xi32, #tpu.memory_space<vmem>> -> memref<128xi32, #tpu.memory_space<vmem>>
        %dma_start3A_22 = arith.constant 0 : i32
        %dma_start3A_23 = arith.constant 0 : i32
        %dma_start3A_24 = tpu.memref_slice %arg2[%dma_start3A_22, %dma_start3A_23] : memref<10112x128xf32, #tpu.memory_space<hbm>> -> memref<10112x128xf32, #tpu.memory_space<hbm>>
        tpu.enqueue_indirect_dma source(%dma_start3A_24 : memref<10112x128xf32, #tpu.memory_space<hbm>>) target(%arg9 : memref<128x128xf32, #tpu.memory_space<vmem>>) offsets(%dma_start3A_21 : memref<128xi32, #tpu.memory_space<vmem>>) semaphore(%run_scoped3A : memref<!tpu.dma_semaphore, #tpu.memory_space<semaphore_mem>>)
        %dma_wait3A = arith.constant 0 : i32
        %dma_wait3A_25 = tpu.memref_slice %arg7[%while3A_19, %dma_wait3A] : memref<94x128xi32, #tpu.memory_space<vmem>> -> memref<1x128xi32, #tpu.memory_space<vmem>>
        %dma_wait3A_26 = tpu.memref_squeeze %dma_wait3A_25 : memref<1x128xi32, #tpu.memory_space<vmem>> -> memref<128xi32, #tpu.memory_space<vmem>>
        %dma_wait3A_27 = arith.constant 0 : i32
        %dma_wait3A_28 = arith.constant 0 : i32
        %dma_wait3A_29 = tpu.memref_slice %arg2[%dma_wait3A_27, %dma_wait3A_28] : memref<10112x128xf32, #tpu.memory_space<hbm>> -> memref<10112x128xf32, #tpu.memory_space<hbm>>
        tpu.wait_indirect_dma semaphore(%run_scoped3A : memref<!tpu.dma_semaphore, #tpu.memory_space<semaphore_mem>>) src(%dma_wait3A_29 : memref<10112x128xf32, #tpu.memory_space<hbm>>) dst(%arg9 : memref<128x128xf32, #tpu.memory_space<vmem>>)
        tpu.yield
      }) : () -> ()
      "tpu.region"() ({
        %run_scoped3A = tpu.sem_alloc : memref<!tpu.dma_semaphore, #tpu.memory_space<semaphore_mem>>
        %dma_start3A = arith.constant 0 : i32
        %dma_start3A_20 = tpu.memref_slice %arg8[%while3A_19, %dma_start3A] : memref<94x128xi32, #tpu.memory_space<vmem>> -> memref<1x128xi32, #tpu.memory_space<vmem>>
        %dma_start3A_21 = tpu.memref_squeeze %dma_start3A_20 : memref<1x128xi32, #tpu.memory_space<vmem>> -> memref<128xi32, #tpu.memory_space<vmem>>
        %dma_start3A_22 = arith.constant 0 : i32
        %dma_start3A_23 = arith.constant 0 : i32
        %dma_start3A_24 = tpu.memref_slice %arg10[%dma_start3A_22, %dma_start3A_23] : memref<10112x128xf32, #tpu.memory_space<vmem_shared>> -> memref<10112x128xf32, #tpu.memory_space<vmem_shared>>
        tpu.enqueue_indirect_dma source(%arg9 : memref<128x128xf32, #tpu.memory_space<vmem>>) target(%dma_start3A_24 : memref<10112x128xf32, #tpu.memory_space<vmem_shared>>) offsets(%dma_start3A_21 : memref<128xi32, #tpu.memory_space<vmem>>) semaphore(%run_scoped3A : memref<!tpu.dma_semaphore, #tpu.memory_space<semaphore_mem>>) {add = true}
        %dma_wait3A = arith.constant 0 : i32
        %dma_wait3A_25 = tpu.memref_slice %arg8[%while3A_19, %dma_wait3A] : memref<94x128xi32, #tpu.memory_space<vmem>> -> memref<1x128xi32, #tpu.memory_space<vmem>>
        %dma_wait3A_26 = tpu.memref_squeeze %dma_wait3A_25 : memref<1x128xi32, #tpu.memory_space<vmem>> -> memref<128xi32, #tpu.memory_space<vmem>>
        %dma_wait3A_27 = arith.constant 0 : i32
        %dma_wait3A_28 = arith.constant 0 : i32
        %dma_wait3A_29 = tpu.memref_slice %arg10[%dma_wait3A_27, %dma_wait3A_28] : memref<10112x128xf32, #tpu.memory_space<vmem_shared>> -> memref<10112x128xf32, #tpu.memory_space<vmem_shared>>
        tpu.wait_indirect_dma semaphore(%run_scoped3A : memref<!tpu.dma_semaphore, #tpu.memory_space<semaphore_mem>>) src(%arg9 : memref<128x128xf32, #tpu.memory_space<vmem>>) dst(%dma_wait3A_29 : memref<10112x128xf32, #tpu.memory_space<vmem_shared>>)
        tpu.yield
      }) : () -> ()
    }
    %while3A_13 = arith.constant 1 : i32
    scf.for %while3A_19 = %while3A_11 to %while3A_7 step %while3A_13  : i32 {
      "tpu.region"() ({
        %run_scoped3A = tpu.sem_alloc : memref<!tpu.dma_semaphore, #tpu.memory_space<semaphore_mem>>
        %dma_start3A = arith.constant 0 : i32
        %dma_start3A_20 = tpu.memref_slice %arg7[%while3A_19, %dma_start3A] : memref<94x128xi32, #tpu.memory_space<vmem>> -> memref<1x128xi32, #tpu.memory_space<vmem>>
        %dma_start3A_21 = tpu.memref_squeeze %dma_start3A_20 : memref<1x128xi32, #tpu.memory_space<vmem>> -> memref<128xi32, #tpu.memory_space<vmem>>
        %dma_start3A_22 = arith.constant 0 : i32
        %dma_start3A_23 = arith.constant 0 : i32
        %dma_start3A_24 = tpu.memref_slice %arg2[%dma_start3A_22, %dma_start3A_23] : memref<10112x128xf32, #tpu.memory_space<hbm>> -> memref<10112x128xf32, #tpu.memory_space<hbm>>
        tpu.enqueue_indirect_dma source(%dma_start3A_24 : memref<10112x128xf32, #tpu.memory_space<hbm>>) target(%arg9 : memref<128x128xf32, #tpu.memory_space<vmem>>) offsets(%dma_start3A_21 : memref<128xi32, #tpu.memory_space<vmem>>) semaphore(%run_scoped3A : memref<!tpu.dma_semaphore, #tpu.memory_space<semaphore_mem>>)
        %dma_wait3A = arith.constant 0 : i32
        %dma_wait3A_25 = tpu.memref_slice %arg7[%while3A_19, %dma_wait3A] : memref<94x128xi32, #tpu.memory_space<vmem>> -> memref<1x128xi32, #tpu.memory_space<vmem>>
        %dma_wait3A_26 = tpu.memref_squeeze %dma_wait3A_25 : memref<1x128xi32, #tpu.memory_space<vmem>> -> memref<128xi32, #tpu.memory_space<vmem>>
        %dma_wait3A_27 = arith.constant 0 : i32
        %dma_wait3A_28 = arith.constant 0 : i32
        %dma_wait3A_29 = tpu.memref_slice %arg2[%dma_wait3A_27, %dma_wait3A_28] : memref<10112x128xf32, #tpu.memory_space<hbm>> -> memref<10112x128xf32, #tpu.memory_space<hbm>>
        tpu.wait_indirect_dma semaphore(%run_scoped3A : memref<!tpu.dma_semaphore, #tpu.memory_space<semaphore_mem>>) src(%dma_wait3A_29 : memref<10112x128xf32, #tpu.memory_space<hbm>>) dst(%arg9 : memref<128x128xf32, #tpu.memory_space<vmem>>)
        tpu.yield
      }) : () -> ()
      "tpu.region"() ({
        %run_scoped3A = tpu.sem_alloc : memref<!tpu.dma_semaphore, #tpu.memory_space<semaphore_mem>>
        %dma_start3A = arith.constant 0 : i32
        %dma_start3A_20 = tpu.memref_slice %arg8[%while3A_19, %dma_start3A] : memref<94x128xi32, #tpu.memory_space<vmem>> -> memref<1x128xi32, #tpu.memory_space<vmem>>
        %dma_start3A_21 = tpu.memref_squeeze %dma_start3A_20 : memref<1x128xi32, #tpu.memory_space<vmem>> -> memref<128xi32, #tpu.memory_space<vmem>>
        %dma_start3A_22 = arith.constant 0 : i32
        %dma_start3A_23 = arith.constant 0 : i32
        %dma_start3A_24 = tpu.memref_slice %arg10[%dma_start3A_22, %dma_start3A_23] : memref<10112x128xf32, #tpu.memory_space<vmem_shared>> -> memref<10112x128xf32, #tpu.memory_space<vmem_shared>>
        tpu.enqueue_indirect_dma source(%arg9 : memref<128x128xf32, #tpu.memory_space<vmem>>) target(%dma_start3A_24 : memref<10112x128xf32, #tpu.memory_space<vmem_shared>>) offsets(%dma_start3A_21 : memref<128xi32, #tpu.memory_space<vmem>>) semaphore(%run_scoped3A : memref<!tpu.dma_semaphore, #tpu.memory_space<semaphore_mem>>) {add = true}
        %dma_wait3A = arith.constant 0 : i32
        %dma_wait3A_25 = tpu.memref_slice %arg8[%while3A_19, %dma_wait3A] : memref<94x128xi32, #tpu.memory_space<vmem>> -> memref<1x128xi32, #tpu.memory_space<vmem>>
        %dma_wait3A_26 = tpu.memref_squeeze %dma_wait3A_25 : memref<1x128xi32, #tpu.memory_space<vmem>> -> memref<128xi32, #tpu.memory_space<vmem>>
        %dma_wait3A_27 = arith.constant 0 : i32
        %dma_wait3A_28 = arith.constant 0 : i32
        %dma_wait3A_29 = tpu.memref_slice %arg10[%dma_wait3A_27, %dma_wait3A_28] : memref<10112x128xf32, #tpu.memory_space<vmem_shared>> -> memref<10112x128xf32, #tpu.memory_space<vmem_shared>>
        tpu.wait_indirect_dma semaphore(%run_scoped3A : memref<!tpu.dma_semaphore, #tpu.memory_space<semaphore_mem>>) src(%arg9 : memref<128x128xf32, #tpu.memory_space<vmem>>) dst(%dma_wait3A_29 : memref<10112x128xf32, #tpu.memory_space<vmem_shared>>)
        tpu.yield
      }) : () -> ()
    }
    %barrier3A_14 = arith.constant 0 : index
    tpu.barrier barrier_id(%barrier3A_14)
    %mul3A_15 = arith.constant 632 : i32
    %mul3A_16 = arith.muli %arg1, %mul3A_15 : i32
    %mul3A_17 = arith.constant 632 : i32
    %mul3A_18 = arith.muli %arg1, %mul3A_17 : i32
    "tpu.region"() ({
      %run_scoped3A = tpu.sem_alloc : memref<!tpu.dma_semaphore, #tpu.memory_space<semaphore_mem>>
      %dma_start3A = arith.constant 0 : i32
      %dma_start3A_19 = tpu.memref_slice %arg6[%arg0, %mul3A_18, %dma_start3A] : memref<2x10112x128xf32, #tpu.memory_space<hbm>> -> memref<1x632x128xf32, #tpu.memory_space<hbm>>
      %dma_start3A_20 = tpu.memref_squeeze %dma_start3A_19 : memref<1x632x128xf32, #tpu.memory_space<hbm>> -> memref<632x128xf32, #tpu.memory_space<hbm>>
      %dma_start3A_21 = arith.constant 0 : i32
      %dma_start3A_22 = tpu.memref_slice %arg10[%mul3A_16, %dma_start3A_21] : memref<10112x128xf32, #tpu.memory_space<vmem_shared>> -> memref<632x128xf32, #tpu.memory_space<vmem_shared>>
      tpu.enqueue_dma source(%dma_start3A_22 : memref<632x128xf32, #tpu.memory_space<vmem_shared>>) target(%dma_start3A_20 : memref<632x128xf32, #tpu.memory_space<hbm>>) target_semaphore(%run_scoped3A : memref<!tpu.dma_semaphore, #tpu.memory_space<semaphore_mem>>)
      %dma_wait3A = arith.constant 0 : i32
      %dma_wait3A_23 = tpu.memref_slice %arg6[%arg0, %mul3A_18, %dma_wait3A] : memref<2x10112x128xf32, #tpu.memory_space<hbm>> -> memref<1x632x128xf32, #tpu.memory_space<hbm>>
      %dma_wait3A_24 = tpu.memref_squeeze %dma_wait3A_23 : memref<1x632x128xf32, #tpu.memory_space<hbm>> -> memref<632x128xf32, #tpu.memory_space<hbm>>
      %dma_wait3A_25 = arith.constant 0 : i32
      %dma_wait3A_26 = tpu.memref_slice %arg10[%mul3A_16, %dma_wait3A_25] : memref<10112x128xf32, #tpu.memory_space<vmem_shared>> -> memref<632x128xf32, #tpu.memory_space<vmem_shared>>
      tpu.wait_dma2 semaphore(%run_scoped3A : memref<!tpu.dma_semaphore, #tpu.memory_space<semaphore_mem>>) src(%dma_wait3A_26 : memref<632x128xf32, #tpu.memory_space<vmem_shared>>) dst(%dma_wait3A_24 : memref<632x128xf32, #tpu.memory_space<hbm>>)
      tpu.yield
    }) : () -> ()
    return
  }
}

module attributes {stable_mosaic.version = 14 : i64} {
  func.func @body(%arg0: i32, %arg1: memref<2x1264x128xf32, #tpu.memory_space<vmem>>, %arg2: memref<128x128xf32, #tpu.memory_space<vmem>>, %arg3: memref<1x128xf32, #tpu.memory_space<vmem>>, %arg4: memref<1264x128xf32, #tpu.memory_space<vmem>>) attributes {dimension_semantics = [#tpu.dimension_semantics<arbitrary>], iteration_bounds = array<i64: 8>, scalar_prefetch = 0 : i64, scratch_operands = 0 : i64, tpu.core_type = #tpu.core_type<tc>, window_params = [{transform_indices = @transform_0, window_bounds = array<i64: 2, 1264, 128>}, {pipeline_mode = #tpu.pipeline_mode<synchronous>, transform_indices = @transform_1, window_bounds = array<i64: 128, 128>}, {pipeline_mode = #tpu.pipeline_mode<synchronous>, transform_indices = @transform_2, window_bounds = array<i64: 1, 128>}, {transform_indices = @transform_3, window_bounds = array<i64: 1264, 128>}]} {
    %get3A = arith.constant 0 : index
    %get3A_0 = arith.constant 0 : index
    %get3A_1 = arith.constant 0 : index
    %get3A_2 = vector.load %arg1[%get3A, %get3A_0, %get3A_1] : memref<2x1264x128xf32, #tpu.memory_space<vmem>>, vector<1x1264x128xf32>
    %get3A_3 = vector.shape_cast %get3A_2 : vector<1x1264x128xf32> to vector<1264x128xf32>
    %get3A_4 = arith.constant 1 : index
    %get3A_5 = arith.constant 0 : index
    %get3A_6 = arith.constant 0 : index
    %get3A_7 = vector.load %arg1[%get3A_4, %get3A_5, %get3A_6] : memref<2x1264x128xf32, #tpu.memory_space<vmem>>, vector<1x1264x128xf32>
    %get3A_8 = vector.shape_cast %get3A_7 : vector<1x1264x128xf32> to vector<1264x128xf32>
    %add3A = arith.addf %get3A_3, %get3A_8 : vector<1264x128xf32>
    %get3A_9 = arith.constant 0 : index
    %get3A_10 = arith.constant 0 : index
    %get3A_11 = vector.load %arg2[%get3A_9, %get3A_10] : memref<128x128xf32, #tpu.memory_space<vmem>>, vector<128x128xf32>
    %dot_general3A = arith.constant dense<0.000000e+00> : vector<1264x128xf32>
    %dot_general3A_12 = tpu.matmul %add3A, %get3A_11, %dot_general3A {dimension_numbers = #tpu.dot_dimension_numbers<[1], [0], [0], [1], [0, 0, 1, 1], [], []>, transpose_lhs_hint = false} : vector<1264x128xf32>, vector<128x128xf32>, vector<1264x128xf32> -> vector<1264x128xf32>
    %get3A_13 = arith.constant 0 : index
    %get3A_14 = arith.constant 0 : index
    %get3A_15 = vector.load %arg3[%get3A_13, %get3A_14] : memref<1x128xf32, #tpu.memory_space<vmem>>, vector<1x128xf32>
    %add3A_16 = vector.broadcast %get3A_15 : vector<1x128xf32> to vector<1264x128xf32>
    %add3A_17 = arith.addf %dot_general3A_12, %add3A_16 : vector<1264x128xf32>
    %max3A = arith.constant 0.000000e+00 : f32
    %max3A_18 = vector.broadcast %max3A : f32 to vector<1264x128xf32>
    %max3A_19 = arith.maximumf %add3A_17, %max3A_18 : vector<1264x128xf32>
    %swap3A = arith.constant 0 : index
    %swap3A_20 = arith.constant 0 : index
    %swap3A_21 = vector.load %arg4[%swap3A, %swap3A_20] : memref<1264x128xf32, #tpu.memory_space<vmem>>, vector<1264x128xf32>
    tpu.vector_store %arg4[%swap3A, %swap3A_20], %max3A_19 {strides = array<i32>} : memref<1264x128xf32, #tpu.memory_space<vmem>>, vector<1264x128xf32>,
    return
  }
  func.func @transform_0(%arg0: i32) -> (i32, i32, i32) {
    %c0_i32 = arith.constant 0 : i32
    %c0_i32_0 = arith.constant 0 : i32
    %c0_i32_1 = arith.constant 0 : i32
    return %c0_i32, %arg0, %c0_i32_0 : i32, i32, i32
  }
  func.func @transform_1(%arg0: i32) -> (i32, i32) {
    %c0_i32 = arith.constant 0 : i32
    %c0_i32_0 = arith.constant 0 : i32
    %c0_i32_1 = arith.constant 0 : i32
    return %c0_i32, %c0_i32_0 : i32, i32
  }
  func.func @transform_2(%arg0: i32) -> (i32, i32) {
    %c0_i32 = arith.constant 0 : i32
    %c0_i32_0 = arith.constant 0 : i32
    %c0_i32_1 = arith.constant 0 : i32
    return %c0_i32, %c0_i32_0 : i32, i32
  }
  func.func @transform_3(%arg0: i32) -> (i32, i32) {
    %c0_i32 = arith.constant 0 : i32
    %c0_i32_0 = arith.constant 0 : i32
    return %arg0, %c0_i32 : i32, i32
  }
}

module attributes {stable_mosaic.version = 14 : i64} {
  func.func @body(%arg0: i32, %arg1: memref<2x1264x128xf32, #tpu.memory_space<vmem>>, %arg2: memref<128x128xf32, #tpu.memory_space<vmem>>, %arg3: memref<1x128xf32, #tpu.memory_space<vmem>>, %arg4: memref<1264x128xf32, #tpu.memory_space<vmem>>, %arg5: memref<1264x128xf32, #tpu.memory_space<vmem>>) attributes {dimension_semantics = [#tpu.dimension_semantics<arbitrary>], iteration_bounds = array<i64: 8>, scalar_prefetch = 0 : i64, scratch_operands = 0 : i64, tpu.core_type = #tpu.core_type<tc>, window_params = [{transform_indices = @transform_0, window_bounds = array<i64: 2, 1264, 128>}, {pipeline_mode = #tpu.pipeline_mode<synchronous>, transform_indices = @transform_1, window_bounds = array<i64: 128, 128>}, {pipeline_mode = #tpu.pipeline_mode<synchronous>, transform_indices = @transform_2, window_bounds = array<i64: 1, 128>}, {transform_indices = @transform_3, window_bounds = array<i64: 1264, 128>}, {transform_indices = @transform_4, window_bounds = array<i64: 1264, 128>}]} {
    %get3A = arith.constant 0 : index
    %get3A_0 = arith.constant 0 : index
    %get3A_1 = arith.constant 0 : index
    %get3A_2 = vector.load %arg1[%get3A, %get3A_0, %get3A_1] : memref<2x1264x128xf32, #tpu.memory_space<vmem>>, vector<1x1264x128xf32>
    %get3A_3 = vector.shape_cast %get3A_2 : vector<1x1264x128xf32> to vector<1264x128xf32>
    %get3A_4 = arith.constant 1 : index
    %get3A_5 = arith.constant 0 : index
    %get3A_6 = arith.constant 0 : index
    %get3A_7 = vector.load %arg1[%get3A_4, %get3A_5, %get3A_6] : memref<2x1264x128xf32, #tpu.memory_space<vmem>>, vector<1x1264x128xf32>
    %get3A_8 = vector.shape_cast %get3A_7 : vector<1x1264x128xf32> to vector<1264x128xf32>
    %add3A = arith.addf %get3A_3, %get3A_8 : vector<1264x128xf32>
    %get3A_9 = arith.constant 0 : index
    %get3A_10 = arith.constant 0 : index
    %get3A_11 = vector.load %arg2[%get3A_9, %get3A_10] : memref<128x128xf32, #tpu.memory_space<vmem>>, vector<128x128xf32>
    %dot_general3A = arith.constant dense<0.000000e+00> : vector<1264x128xf32>
    %dot_general3A_12 = tpu.matmul %add3A, %get3A_11, %dot_general3A {dimension_numbers = #tpu.dot_dimension_numbers<[1], [0], [0], [1], [0, 0, 1, 1], [], []>, transpose_lhs_hint = false} : vector<1264x128xf32>, vector<128x128xf32>, vector<1264x128xf32> -> vector<1264x128xf32>
    %get3A_13 = arith.constant 0 : index
    %get3A_14 = arith.constant 0 : index
    %get3A_15 = vector.load %arg3[%get3A_13, %get3A_14] : memref<1x128xf32, #tpu.memory_space<vmem>>, vector<1x128xf32>
    %add3A_16 = vector.broadcast %get3A_15 : vector<1x128xf32> to vector<1264x128xf32>
    %add3A_17 = arith.addf %dot_general3A_12, %add3A_16 : vector<1264x128xf32>
    %max3A = arith.constant 0.000000e+00 : f32
    %max3A_18 = vector.broadcast %max3A : f32 to vector<1264x128xf32>
    %max3A_19 = arith.maximumf %add3A_17, %max3A_18 : vector<1264x128xf32>
    %get3A_20 = arith.constant 0 : index
    %get3A_21 = arith.constant 0 : index
    %get3A_22 = vector.load %arg4[%get3A_20, %get3A_21] : memref<1264x128xf32, #tpu.memory_space<vmem>>, vector<1264x128xf32>
    %add3A_23 = arith.addf %max3A_19, %get3A_22 : vector<1264x128xf32>
    %swap3A = arith.constant 0 : index
    %swap3A_24 = arith.constant 0 : index
    %swap3A_25 = vector.load %arg5[%swap3A, %swap3A_24] : memref<1264x128xf32, #tpu.memory_space<vmem>>, vector<1264x128xf32>
    tpu.vector_store %arg5[%swap3A, %swap3A_24], %add3A_23 {strides = array<i32>} : memref<1264x128xf32, #tpu.memory_space<vmem>>, vector<1264x128xf32>,
    return
  }
  func.func @transform_0(%arg0: i32) -> (i32, i32, i32) {
    %c0_i32 = arith.constant 0 : i32
    %c0_i32_0 = arith.constant 0 : i32
    %c0_i32_1 = arith.constant 0 : i32
    return %c0_i32, %arg0, %c0_i32_0 : i32, i32, i32
  }
  func.func @transform_1(%arg0: i32) -> (i32, i32) {
    %c0_i32 = arith.constant 0 : i32
    %c0_i32_0 = arith.constant 0 : i32
    %c0_i32_1 = arith.constant 0 : i32
    return %c0_i32, %c0_i32_0 : i32, i32
  }
  func.func @transform_2(%arg0: i32) -> (i32, i32) {
    %c0_i32 = arith.constant 0 : i32
    %c0_i32_0 = arith.constant 0 : i32
    %c0_i32_1 = arith.constant 0 : i32
    return %c0_i32, %c0_i32_0 : i32, i32
  }
  func.func @transform_3(%arg0: i32) -> (i32, i32) {
    %c0_i32 = arith.constant 0 : i32
    %c0_i32_0 = arith.constant 0 : i32
    return %arg0, %c0_i32 : i32, i32
  }
  func.func @transform_4(%arg0: i32) -> (i32, i32) {
    %c0_i32 = arith.constant 0 : i32
    %c0_i32_0 = arith.constant 0 : i32
    return %arg0, %c0_i32 : i32, i32
  }
}

module attributes {stable_mosaic.version = 14 : i64} {
  func.func @body(%arg0: i32, %arg1: memref<1000x128xf32, #tpu.memory_space<vmem>>, %arg2: memref<1x128xf32, #tpu.memory_space<vmem>>, %arg3: memref<1x128xf32, #tpu.memory_space<vmem>>, %arg4: memref<1000x128xf32, #tpu.memory_space<vmem>>) attributes {dimension_semantics = [#tpu.dimension_semantics<arbitrary>], iteration_bounds = array<i64: 10>, scalar_prefetch = 0 : i64, scratch_operands = 0 : i64, tpu.core_type = #tpu.core_type<tc>, window_params = [{transform_indices = @transform_0, window_bounds = array<i64: 1000, 128>}, {pipeline_mode = #tpu.pipeline_mode<synchronous>, transform_indices = @transform_1, window_bounds = array<i64: 1, 128>}, {pipeline_mode = #tpu.pipeline_mode<synchronous>, transform_indices = @transform_2, window_bounds = array<i64: 1, 128>}, {transform_indices = @transform_3, window_bounds = array<i64: 1000, 128>}]} {
    %get3A = arith.constant 0 : index
    %get3A_0 = arith.constant 0 : index
    %get3A_1 = vector.load %arg1[%get3A, %get3A_0] : memref<1000x128xf32, #tpu.memory_space<vmem>>, vector<1000x128xf32>
    %reduce_sum3A = arith.constant dense<0.000000e+00> : vector<1000xf32>
    %reduce_sum3A_2 = vector.multi_reduction <add>, %get3A_1, %reduce_sum3A [1] : vector<1000x128xf32> to vector<1000xf32>
    %broadcast_in_dim3A = vector.shape_cast %reduce_sum3A_2 : vector<1000xf32> to vector<1000x1xf32>
    %div3A = arith.constant 1.280000e+02 : f32
    %div3A_3 = vector.broadcast %div3A : f32 to vector<1000x1xf32>
    %div3A_4 = arith.divf %broadcast_in_dim3A, %div3A_3 : vector<1000x1xf32>
    %sub3A = vector.broadcast %div3A_4 : vector<1000x1xf32> to vector<1000x128xf32>
    %sub3A_5 = arith.subf %get3A_1, %sub3A : vector<1000x128xf32>
    %integer_pow3A = arith.mulf %sub3A_5, %sub3A_5 : vector<1000x128xf32>
    %reduce_sum3A_6 = arith.constant dense<0.000000e+00> : vector<1000xf32>
    %reduce_sum3A_7 = vector.multi_reduction <add>, %integer_pow3A, %reduce_sum3A_6 [1] : vector<1000x128xf32> to vector<1000xf32>
    %broadcast_in_dim3A_8 = vector.shape_cast %reduce_sum3A_7 : vector<1000xf32> to vector<1000x1xf32>
    %div3A_9 = arith.constant 1.280000e+02 : f32
    %div3A_10 = vector.broadcast %div3A_9 : f32 to vector<1000x1xf32>
    %div3A_11 = arith.divf %broadcast_in_dim3A_8, %div3A_10 : vector<1000x1xf32>
    %sub3A_12 = vector.broadcast %div3A_4 : vector<1000x1xf32> to vector<1000x128xf32>
    %sub3A_13 = arith.subf %get3A_1, %sub3A_12 : vector<1000x128xf32>
    %add3A = arith.constant 9.99999974E-6 : f32
    %add3A_14 = vector.broadcast %add3A : f32 to vector<1000x1xf32>
    %add3A_15 = arith.addf %div3A_11, %add3A_14 : vector<1000x1xf32>
    %rsqrt3A = math.rsqrt %add3A_15 : vector<1000x1xf32>
    %mul3A = vector.broadcast %rsqrt3A : vector<1000x1xf32> to vector<1000x128xf32>
    %mul3A_16 = arith.mulf %sub3A_13, %mul3A : vector<1000x128xf32>
    %get3A_17 = arith.constant 0 : index
    %get3A_18 = arith.constant 0 : index
    %get3A_19 = vector.load %arg2[%get3A_17, %get3A_18] : memref<1x128xf32, #tpu.memory_space<vmem>>, vector<1x128xf32>
    %mul3A_20 = vector.broadcast %get3A_19 : vector<1x128xf32> to vector<1000x128xf32>
    %mul3A_21 = arith.mulf %mul3A_16, %mul3A_20 : vector<1000x128xf32>
    %get3A_22 = arith.constant 0 : index
    %get3A_23 = arith.constant 0 : index
    %get3A_24 = vector.load %arg3[%get3A_22, %get3A_23] : memref<1x128xf32, #tpu.memory_space<vmem>>, vector<1x128xf32>
    %add3A_25 = vector.broadcast %get3A_24 : vector<1x128xf32> to vector<1000x128xf32>
    %add3A_26 = arith.addf %mul3A_21, %add3A_25 : vector<1000x128xf32>
    %swap3A = arith.constant 0 : index
    %swap3A_27 = arith.constant 0 : index
    %swap3A_28 = vector.load %arg4[%swap3A, %swap3A_27] : memref<1000x128xf32, #tpu.memory_space<vmem>>, vector<1000x128xf32>
    tpu.vector_store %arg4[%swap3A, %swap3A_27], %add3A_26 {strides = array<i32>} : memref<1000x128xf32, #tpu.memory_space<vmem>>, vector<1000x128xf32>,
    return
  }
  func.func @transform_0(%arg0: i32) -> (i32, i32) {
    %c0_i32 = arith.constant 0 : i32
    %c0_i32_0 = arith.constant 0 : i32
    return %arg0, %c0_i32 : i32, i32
  }
  func.func @transform_1(%arg0: i32) -> (i32, i32) {
    %c0_i32 = arith.constant 0 : i32
    %c0_i32_0 = arith.constant 0 : i32
    %c0_i32_1 = arith.constant 0 : i32
    return %c0_i32, %c0_i32_0 : i32, i32
  }
  func.func @transform_2(%arg0: i32) -> (i32, i32) {
    %c0_i32 = arith.constant 0 : i32
    %c0_i32_0 = arith.constant 0 : i32
    %c0_i32_1 = arith.constant 0 : i32
    return %c0_i32, %c0_i32_0 : i32, i32
  }
  func.func @transform_3(%arg0: i32) -> (i32, i32) {
    %c0_i32 = arith.constant 0 : i32
    %c0_i32_0 = arith.constant 0 : i32
    return %arg0, %c0_i32 : i32, i32
  }
}

</mosaic_0001>

<sc_bundles>
// kernel: kernel.13.cloned.1.call-start
scs
__scs_entry_jumppad:
0x0: {  	(pc) =	sbr.rel $0x88, $3  }
0x1: {  	(tag) =	ssettag $0x0;
	lr =	simm.s32 $0x1  }
0x2: {  	[smem:$0x3F97] =	sst lr;
	_ =	strace $0xD0000000  }
0x3: {  	_ = 	snop  }
0x4: {  	_ = 	snop  }
0x5: {  	_ = 	snop  }
0x6: {  	_ = 	snop  }
0x7: {  	_ = 	snop  }
__scs_overlays_trampoline_lowered:
0x8: {  	[smem:$0x3FA6] =	sst s0  }
0x9: {  	[smem:$0x3FA7] =	sst s1  }
0xa: {  	[smem:$0x3FA8] =	sst s2  }
0xb: {  	[smem:$0x3FA9] =	sst s3  }
0xc: {  	[smem:$0x3FAA] =	sst s4  }
0xd: {  	[smem:$0x3FAB] =	sst s5  }
0xe: {  	[smem:$0x3FAC] =	sst s6  }
0xf: {  	[smem:$0x3FAD] =	sst s7  }
0x10: {  	[smem:$0x3FAE] =	sst s8  }
0x11: {  	[smem:$0x3FAF] =	sst s9;
	s0 =	simm.s32 @!p0 $0x0  }
0x12: {  	s1 =	sld [smem:$0x3F95];
	s0 =	simm.s32 @p0 $0x1  }
0x13: {  	[smem:$0x3FB0] =	sst s0;
	s0 =	simm.s32 @!p1 $0x0  }
0x14: {  	s2 =	sld [smem:$0x3F94];
	s0 =	simm.s32 @p1 $0x1  }
0x15: {  	[smem:$0x3FB1] =	sst s0;
	s0 =	simm.s32 @!p2 $0x0  }
0x16: {  	s3 =	sld [smem:$0x3FDB];
	s0 =	simm.s32 @p2 $0x1  }
0x17: {  	s4 =	simm.s32 $0x1BF5;
	[smem:$0x3FB3] =	sst s0  }
0x18: {  	s0 =	sld [smem:$0x3F96];
	_ =	swait.ge [sflag:s4], $0x0  }
0x19: {  	s7 =	sld [smem:$0x3F97]  }
0x1a: {  	s8 =	sadd.s32 $0xFFFFE003, lr  }
0x1b: {  	s9 =	sadd.s32 $0xFFFFFEF7, lr;
	s5 =	simm.s32 $0xFFFFFFFF;
	p2 =	slt.u32 s8, $0xFFFFF086  }
0x1c: {  	p1 =	slt.u32 s9, $0xF7A;
	s5 =	simm.s32 @!p2 $0x0  }
0x1d: {  	s5 =	simm.s32 @p1 $0x1;
	p0 =	seq.s32 s7, s2  }
0x1e: {  	s7 =	smul.u32 @!p0 $0xF7A, s2;
	p2 =	seq.s32 @!p0 s5, $0x0  }
0x1f: {  	s9 =	smul.u32 $0xF7A, s1;
	s8 =	simm.s32 @!p0 $0x1BF5;
	p2 =	por !p2, p0  }
0x20: {  	[sflag:s8] =	ssyncset.s32 @!p0 $0xFFFFF086;
	s6 =	sadd.s32 @!p0 s3, s7;
	s7 =	simm.s32 @!p0 $0x108  }
0x21: {  	s3 =	sadd.s32 s3, s9;
	s6 =	sadd.s32 @!p0 $0x88, s6;
	s7 =	simm.s32 @p2 $0x1082  }
0x22: {  	[simem:s7], [sflag:s8] =	dma.local @!p0 [hbm:s6], $0xF7A  }
0x23: {  	s9 =	sor.u32 $0xD0000000, s2;
	s6 =	simm.s32 $0x108;
	_ =	swait.ge @!p0 [sflag:s8], $0x0  }
0x24: {  	s3 =	sadd.s32 $0x88, s3;
	s6 =	simm.s32 @!p1 $0x1082;
	[sflag:s4] =	ssyncset.s32 $0xFFFFF086  }
0x25: {  	[simem:s6], [sflag:s4] =	dma.local [hbm:s3], $0xF7A  }
0x26: {  	[smem:$0x3F97] =	sst s1;
	(tag) =	ssettag s2;
	_ =	strace s9  }
0x27: {  	s1 =	sld [smem:$0x3FA7]  }
0x28: {  	s2 =	sld [smem:$0x3FA8]  }
0x29: {  	s4 =	sld [smem:$0x3FAA]  }
0x2a: {  	p0 =	seq.s32 s5, $0x0;
	s5 =	sld [smem:$0x3FAB]  }
0x2b: {  	s6 =	sld [smem:$0x3FAC]  }
0x2c: {  	s7 =	sld [smem:$0x3FAD]  }
0x2d: {  	s3 =	simm.s32 $0x108;
	s8 =	sld [smem:$0x3FAE]  }
0x2e: {  	s3 =	simm.s32 @!p0 $0x1082;
	s9 =	sld [smem:$0x3FAF]  }
0x2f: {  	lr =	sadd.s32 s0, s3;
	s0 =	sld [smem:$0x3FA6]  }
0x30: {  	s3 =	sld [smem:$0x3FA9]  }
0x31: {  	[smem:$0x3FB2] =	sst s10  }
0x32: {  	s10 =	sld [smem:$0x3FB0];
	_ =	sdelay $0x3  }
0x33: {  	p0 =	seq.s32 s10, $0x1;
	s10 =	sld [smem:$0x3FB2];
	_ =	sdelay $0x3  }
0x34: {  	[smem:$0x3FB2] =	sst s10  }
0x35: {  	s10 =	sld [smem:$0x3FB1];
	_ =	sdelay $0x3  }
0x36: {  	p1 =	seq.s32 s10, $0x1;
	s10 =	sld [smem:$0x3FB2];
	_ =	sdelay $0x3  }
0x37: {  	[smem:$0x3FB2] =	sst s10  }
0x38: {  	s10 =	sld [smem:$0x3FB3]  }
0x39: {  	_ = 	snop;
	(pc) =	sbr.ind lr, $3  }
0x3a: {  	_ = 	snop  }
0x3b: {  	_ = 	snop  }
0x3c: {  	p2 =	seq.s32 s10, $0x1;
	s10 =	sld [smem:$0x3FB2]  }
0x3d: {  	_ =	shalt  }
0x3e: {  	_ =	shalt  }
0x3f: {  	_ =	shalt  }
0x40: {  	_ =	shalt  }
0x41: {  	_ =	shalt  }
0x42: {  	_ =	shalt  }
0x43: {  	_ =	shalt  }
0x44: {  	_ =	shalt  }
0x45: {  	_ =	shalt  }
0x46: {  	_ =	shalt  }
0x47: {  	_ =	shalt  }
0x48: {  	_ =	shalt  }
0x49: {  	_ =	shalt  }
0x4a: {  	_ =	shalt  }
0x4b: {  	_ =	shalt  }
0x4c: {  	_ =	shalt  }
0x4d: {  	_ =	shalt  }
0x4e: {  	_ =	shalt  }
0x4f: {  	_ =	shalt  }
0x50: {  	_ =	shalt  }
0x51: {  	_ =	shalt  }
0x52: {  	_ =	shalt  }
0x53: {  	_ =	shalt  }
0x54: {  	_ =	shalt  }
0x55: {  	_ =	shalt  }
0x56: {  	_ =	shalt  }
0x57: {  	_ =	shalt  }
0x58: {  	_ =	shalt  }
0x59: {  	_ =	shalt  }
0x5a: {  	_ =	shalt  }
0x5b: {  	_ =	shalt  }
0x5c: {  	_ =	shalt  }
0x5d: {  	_ =	shalt  }
0x5e: {  	_ =	shalt  }
0x5f: {  	_ =	shalt  }
0x60: {  	_ =	shalt  }
0x61: {  	_ =	shalt  }
0x62: {  	_ =	shalt  }
0x63: {  	_ =	shalt  }
0x64: {  	_ =	shalt  }
0x65: {  	_ =	shalt  }
0x66: {  	_ =	shalt  }
0x67: {  	_ =	shalt  }
0x68: {  	_ =	shalt  }
0x69: {  	_ =	shalt  }
0x6a: {  	_ =	shalt  }
0x6b: {  	_ =	shalt  }
0x6c: {  	_ =	shalt  }
0x6d: {  	_ =	shalt  }
0x6e: {  	_ =	shalt  }
0x6f: {  	_ =	shalt  }
0x70: {  	_ =	shalt  }
0x71: {  	_ =	shalt  }
0x72: {  	_ =	shalt  }
0x73: {  	_ =	shalt  }
0x74: {  	_ =	shalt  }
0x75: {  	_ =	shalt  }
0x76: {  	_ =	shalt  }
0x77: {  	_ =	shalt  }
0x78: {  	_ =	shalt  }
0x79: {  	_ =	shalt  }
0x7a: {  	_ =	shalt  }
0x7b: {  	_ =	shalt  }
0x7c: {  	_ =	shalt  }
0x7d: {  	_ =	shalt  }
0x7e: {  	_ =	shalt  }
0x7f: {  	_ =	shalt  }
0x80: {  	_ =	shalt  }
0x81: {  	_ =	shalt  }
0x82: {  	_ =	shalt  }
0x83: {  	_ =	shalt  }
0x84: {  	_ =	shalt  }
0x85: {  	_ =	shalt  }
0x86: {  	_ =	shalt  }
0x87: {  	_ =	shalt  }
.Lfunc_end0:
.L_simem_size_0:
called_computation_lowered:
.L_overlay_start_0:
0x88: {  	s2 =	sld [smem:$0x3FD9]  }
0x89: {  	s3 =	sld [smem:$0x3FFE];
	_ =	sdelay $0x1  }
0x8a: {  	s1 =	srdreg.scid  }
0x8b: {  	s0 =	sand.u32 $0x1, s1  }
0x8c: {  	s17 =	sshll.u32 s0, $0xA;
	s2 =	sadd.s32 s3, s2  }
0x8d: {  	s2 =	sadd.s32 s2, s17  }
0x8e: {  	[smem:$0x3FBE] =	sst s2  }
0x8f: {  	_ = 	snop  }
0x90: {  	s2 =	sld [smem:$0x3FC9]  }
0x91: {  	s18 =	sld [smem:$0x3FD0];
	(tm) =	ssettm $0x1  }
0x92: {  	s4 =	sld [smem:$0x3FFB];
	_ =	sdelay $0x3  }
0x93: {  	_ =	strace s4  }
0x94: {  	s4 =	sld [smem:$0x3FFC];
	_ =	sdelay $0x3  }
0x95: {  	_ =	strace s4  }
0x96: {  	s4 =	sld [smem:$0x3FFD];
	_ =	sdelay $0x3  }
0x97: {  	_ =	strace s4  }
0x98: {  	_ =	strace $0x8FFFFFFF  }
0x99: {  	s19 =	sld [smem:$0x3FDB];
	_ =	sdelay $0x1  }
0x9a: {  	s5 =	simm.s32 $_scs_section_size  }
0x9b: {  	s6 =	simm.s32 $_size__tile_overlayer_lowered;
	s7 =	simm.s32 $_tile_overlayer_lowered  }
0x9c: {  	s22 =	simm.s32 $0x1BFF;
	s21 =	sshll.u32 s7, $0x1;
	s4 =	sadd.s32 s5, s19  }
0x9d: {  	s8 =	simm.s32 $0x0;
	s20 =	sshll.u32 s6, $0x1;
	s6 =	sadd.s32 s21, s4  }
0x9e: {  	[timem:s8], [sflag:s22] =	dma.local [hbm:s6], s20  }
0x9f: {  	_ =	swait.ge [sflag:s22], s20  }
0xa0: {  	s5 =	ssub.s32 $0x0, s20;
	[sflag:s22] =	ssyncset.done $0x0  }
0xa1: {  	[sflag:s22] =	ssyncadd.s32 s5;
	_ =	sdelay $0x1  }
0xa2: {  	s23 =	simm.s32 $0x1B8B  }
0xa3: {  	_ =	swait.ge [sflag:s23], $0x1  }
0xa4: {  	[sflag:s23] =	ssyncset.done $0x0  }
0xa5: {  	s25 =	simm.s32 $0x1B8E;
	s24 =	sld [smem:$0x3FFE];
	[sflag:s23] =	ssyncadd.s32 $0xFFFFFFFF  }
0xa6: {  	s26 =	simm.s32 $execute0_lowered;
	[smem:$0x3FD2] =	sst s25  }
0xa7: {  	s6 =	sshll.u32 s26, $0x1;
	_ =	strace $0x80000046;
	[dreg:$0x1] =	wrdreg $0xFFFFFFFF  }
0xa8: {  	s28 =	simm.s32 $_size_execute0_lowered;
	s4 =	sadd.s32 s4, s6;
	[dreg:$0x0] =	wrdreg $0x0  }
0xa9: {  	s6 =	sshll.u32 s28, $0x1;
	[dreg:$0x2] =	wrdreg s4  }
0xaa: {  	[dreg:$0x3] =	wrdreg s6  }
0xab: {  	[dreg:$0x4] =	wrdreg $0xC0  }
0xac: {  	_ =	task [dreg:s8], $0x5FFFF  }
0xad: {  	[dreg:$0x1] =	wrdreg $0xFFFFFFFF  }
0xae: {  	[dreg:$0x0] =	wrdreg $0x60  }
0xaf: {  	[dreg:$0x2] =	wrdreg s2  }
0xb0: {  	[dreg:$0x3] =	wrdreg s18  }
0xb1: {  	[dreg:$0x4] =	wrdreg s24  }
0xb2: {  	[dreg:$0x5] =	wrdreg $0xA0000  }
0xb3: {  	[dreg:$0x6] =	wrdreg $0x9  }
0xb4: {  	_ =	task.clear_ibuf [dreg:s8], $0x7FFFF;
	_ =	strace $0x90000046  }
0xb5: {  	s29 =	simm.s32 $0x9;
	_ =	strace $0x80000048  }
0xb6: {  	_ =	swait.ge [sflag:s29], $0x1  }
0xb7: {  	[sflag:s29] =	ssyncadd.s32 $0xFFFFFFFF  }
0xb8: {  	_ =	strace $0x90000048  }
0xb9: {  	_ =	sfence  }
0xba: {  	s30 =	sld [smem:$0x0];
	_ =	sdelay $0x2  }
0xbb: {  	s31 =	sshll.u32 s1, $0xD;
	s1 =	sshrl.u32 s1, $0x2  }
0xbc: {  	s3 =	sand.u32 $0x4000, s31;
	s1 =	sadd.s32 s1, s30  }
0xbd: {  	s0 =	sor.u32 s3, s0;
	s1 =	sshll.u32 s1, $0x11  }
0xbe: {  	s0 =	sor.u32 s1, s0  }
0xbf: {  	s0 =	sadd.s32 $0x8F2B, s0  }
0xc0: {  	[sflag:s0] =	ssyncadd.remote.s32 $0x1  }
0xc1: {  	_ =	sfence.sel $0xFFFF  }
0xc2: {  	[dreg:$0x0] =	wrdreg $0xFFFFFFFF;
	(pc) =	sbr.abs _section_cstart, $3  }
0xc3: {  	[dreg:$0x1] =	wrdreg $0xFFFFFFFF  }
0xc4: {  	_ =	task.clear_ibuf [dreg:s8], $0x2FFFF;
	_ =	strace $0x9FFFFFFF  }
0xc5: {  	(tm) =	ssettm $0x7FFFFFFF  }
tec
execute0_lowered:
.L_overlay_start_1:
0x0: {  	(tag) =	ssettag $0x1  }
0x1: {  	s1 =	rddreg [dreg:$0x0]  }
0x2: {  	s2 =	srdreg.scid;
	s8 =	rddreg [dreg:$0x1]  }
0x3: {  	s0 =	stileid.u32;
	s7 =	rddreg [dreg:$0x2]  }
0x4: {  	s3 =	rddreg [dreg:$0x3];
	s4 =	simm.s32 $0x0;
	s15 =	simm.s32 $0x6000  }
0x5: {  	s16 =	simm.s32 $0x0;
	s6 =	sand.u32 $0x1, s2;
	s28 =	sshll.u32 s0, $0x1  }
0x6: {  	[smem:$0x7FF] =	sst s4;
	s11 =	smul.u32 $0x13C00, s0;
	s5 =	sadd.s32 $0xF800, s7  }
0x7: {  	s14 =	smul.u32 $0x4F000, s0;
	s31 =	sshll.u32 s0, $0x6;
	s2 =	sor.u32 s6, s28  }
0x8: {  	s10 =	smul.u32 $0x13C000, s6;
	s29 =	ssub.s32 $0x2, s6;
	p0 =	seq.s32 s6, $0x0  }
0x9: {  	s6 =	simm.s32 $0x5E;
	s9 =	smul.u32 $0x600, s2;
	s2 =	rddreg [dreg:$0x4]  }
0xa: {  	_ =	strace $0x80000047;
	s13 =	sshrl.u32 s29, $0x1;
	s30 =	sshrl.u32 s14, $0x2  }
0xb: {  	s6 =	simm.s32 @!p0 $0x3F;
	s10 =	sadd.s32 s11, s10;
	s11 =	ssub.s32 s29, s13  }
0xc: {  	s14 =	sadd.s32 s30, s3;
	s13 =	simm.s32 $0x1;
	s12 =	sadd.s32 s9, s7  }
0xd: {  	s10 =	sshrl.u32 s10, $0x3;
	s8 =	sadd.s32 s8, s9;
	s11 =	smax.u32 s11, $0x1  }
0xe: {  	s10 =	sadd.s32 s10, s7;
	s7 =	sor.u32 $0x1C01, s31;
	s9 =	sadd.s32 $0x3800, s12  }
0xf: {  	s12 =	sshrl.u32 s14, $0x3;
	s14 =	simm.s32 $0x80;
	s10 =	sadd.s32 $0x12000, s10  }
.LBB2_1:
0x10: {  	[spmem:s12], [sflag:s7] =	dma.local [hbm:s5], $0x2780  }
0x11: {  	_ =	swait.ge [sflag:s13], $0x2780  }
0x12: {  	[sflag:s13] =	ssyncset.done $0x0  }
0x13: {  	[sflag:s13] =	ssyncadd.s32 $0xFFFFD880  }
0x14: {  	[tilespmem:s4], [sflag:$0x1] =	stream.linear.gather [hbm4b:s8+s4], $0x2F00, $0x38;
	[tilespmem:$0x1DC00] =	vst v63  }
0x15: {  	_ =	swait.ge [sflag:s13], $0x2F00  }
0x16: {  	[sflag:s13] =	ssyncset.done $0x0  }
0x17: {  	s17 =	simm.s32 $0x3000;
	[sflag:s13] =	ssyncadd.s32 $0xFFFFD100  }
0x18: {  	[tilespmem:s17], [sflag:$0x1] =	stream.linear.gather [hbm4b:s9+s4], $0x2F00, $0x38;
	[tilespmem:$0x1DC00] =	vst v63  }
0x19: {  	_ =	swait.ge [sflag:s13], $0x2F00  }
0x1a: {  	[sflag:s13] =	ssyncset.done $0x0  }
0x1b: {  	[sflag:s13] =	ssyncadd.s32 $0xFFFFD100  }
0x1c: {  	[bflag:$0x0] =	sbarrier.arrive $0xFFFF  }
0x1d: {  	[tilespmem:s15], [sflag:$0x1] =	stream.indirect.gather [hbm4b:s1+s14], $0x80, s4, s14, $0xb8;
	[tilespmem:$0x1DC00] =	vst v63  }
0x1e: {  	p0 =	sne.s32 s6, $0x1;
	_ =	swait.ge [sflag:s13], $0x4000  }
.Ltmp0:
0x1f: {  	[sflag:s13] =	ssyncset.done $0x0;
	(pc) =	sbr.rel @!p0 .LBB2_3-.Ltmp0, $4  }
0x20: {  	[sflag:s13] =	ssyncadd.s32 $0xFFFFC000  }
0x21: {  	[spmem:s3] =	stream.indirect.scatter.add.f32 [tilespmem:s15], [sflag:$0x1], $0x80, s17, s14, $0xb8;
	[tilespmem:$0x1DC00] =	vst v63  }
0x22: {  	_ =	swait.ge [sflag:s13], $0x4000  }
0x23: {  	s18 =	sadd.s32 $0xFFFFFFFF, s6;
	s19 =	simm.s32 $0x0;
	[sflag:s13] =	ssyncset.done $0x0  }
.LBB2_2:
0x24: {  	[sflag:s13] =	ssyncadd.s32 $0xFFFFC000;
	s19 =	sadd.s32 $0x80, s19;
	s17 =	sadd.s32 $0x80, s17  }
0x25: {  	[tilespmem:s15], [sflag:$0x1] =	stream.indirect.gather [hbm4b:s1+s14], $0x80, s19, s14, $0xb8;
	[tilespmem:$0x1DC00] =	vst v63  }
0x26: {  	p0 =	sne.s32 s18, $0x1;
	s18 =	sadd.s32 $0xFFFFFFFF, s18;
	_ =	swait.ge [sflag:s13], $0x4000  }
.Ltmp1:
0x27: {  	[sflag:s13] =	ssyncset.done $0x0;
	(pc) =	sbr.rel @p0 .LBB2_2-.Ltmp1, $4  }
0x28: {  	[sflag:s13] =	ssyncadd.s32 $0xFFFFC000  }
0x29: {  	[spmem:s3] =	stream.indirect.scatter.add.f32 [tilespmem:s15], [sflag:$0x1], $0x80, s17, s14, $0xb8;
	[tilespmem:$0x1DC00] =	vst v63  }
0x2a: {  	_ =	swait.ge [sflag:s13], $0x4000  }
0x2b: {  	[sflag:s13] =	ssyncset.done $0x0  }
.LBB2_3:
0x2c: {  	s16 =	sadd.s32 $0x1, s16  }
0x2d: {  	[sflag:s13] =	ssyncadd.s32 $0xFFFFC000;
	p0 =	sne.s32 s16, s11  }
.Ltmp2:
0x2e: {  	[bflag:$0x0] =	sbarrier.arrive $0xFFFF;
	(pc) =	sbr.rel @p0 .LBB2_1-.Ltmp2, $4  }
0x2f: {  	[hbm:s10], [sflag:s7] =	dma.local [spmem:s12], $0x2780  }
0x30: {  	_ =	swait.ge [sflag:s13], $0x2780  }
0x31: {  	[sflag:s13] =	ssyncset.done $0x0  }
0x32: {  	[sflag:s13] =	ssyncadd.s32 $0xFFFFD880  }
0x33: {  	_ =	sfence.sel $0x180000  }
0x34: {  	[bflag:$0x0] =	sbarrier.arrive $0xFFFF  }
0x35: {  	p0 =	sne.s32 s0, $0x0;
	_ =	strace $0x90000047  }
0x36: {  	s0 =	sadd.s32 @!p0 $0x100000, s2;
	[bflag:$0x2] =	sbarrier.arrive $0xFFFF  }
0x37: {  	[sflag:s0] =	ssyncadd.tile.s32 @!p0 $0x1;
	_ =	shalt  }
.Lfunc_end2:
_tile_overlayer_lowered:
.L_overlay_start_2:
0x38: {  	(tag) =	ssettag $0x2  }
0x39: {  	s0 =	rddreg [dreg:$0x0];
	s2 =	stileid.u32  }
0x3a: {  	s1 =	rddreg [dreg:$0x1];
	p0 =	sne.s32 s2, $0x0  }
0x3b: {  	s3 =	rddreg [dreg:$0x2];
	[bflag:$0x3] =	sbarrier.arrive $0xFFFF;
	s2 =	simm.s32 @!p0 $0x1C01  }
0x3c: {  	[timem:s3], [sflag:s2] =	dma.local @!p0 [hbm:s0], s1  }
0x3d: {  	s0 =	simm.s32 @!p0 $0x1  }
0x3e: {  	_ =	swait.ge @!p0 [sflag:s0], s1  }
0x3f: {  	s1 =	ssub.s32 @!p0 $0x0, s1;
	[sflag:s0] =	ssyncset.done @!p0 $0x0  }
0x40: {  	[sflag:s0] =	ssyncadd.s32 @!p0 s1  }
0x41: {  	[bflag:$0x3] =	sbarrier.arrive $0xFFFF  }
0x42: {  	_ =	shalt  }

// kernel: kernel.16.cloned.1.call-start
scs
__scs_entry_jumppad:
0x0: {  	(pc) =	sbr.rel $0x88, $3  }
0x1: {  	(tag) =	ssettag $0x0;
	lr =	simm.s32 $0x1  }
0x2: {  	[smem:$0x3F97] =	sst lr;
	_ =	strace $0xD0000000  }
0x3: {  	_ = 	snop  }
0x4: {  	_ = 	snop  }
0x5: {  	_ = 	snop  }
0x6: {  	_ = 	snop  }
0x7: {  	_ = 	snop  }
__scs_overlays_trampoline_lowered:
0x8: {  	[smem:$0x3FA6] =	sst s0  }
0x9: {  	[smem:$0x3FA7] =	sst s1  }
0xa: {  	[smem:$0x3FA8] =	sst s2  }
0xb: {  	[smem:$0x3FA9] =	sst s3  }
0xc: {  	[smem:$0x3FAA] =	sst s4  }
0xd: {  	[smem:$0x3FAB] =	sst s5  }
0xe: {  	[smem:$0x3FAC] =	sst s6  }
0xf: {  	[smem:$0x3FAD] =	sst s7  }
0x10: {  	[smem:$0x3FAE] =	sst s8  }
0x11: {  	[smem:$0x3FAF] =	sst s9;
	s0 =	simm.s32 @!p0 $0x0  }
0x12: {  	s1 =	sld [smem:$0x3F95];
	s0 =	simm.s32 @p0 $0x1  }
0x13: {  	[smem:$0x3FB0] =	sst s0;
	s0 =	simm.s32 @!p1 $0x0  }
0x14: {  	s2 =	sld [smem:$0x3F94];
	s0 =	simm.s32 @p1 $0x1  }
0x15: {  	[smem:$0x3FB1] =	sst s0;
	s0 =	simm.s32 @!p2 $0x0  }
0x16: {  	s3 =	sld [smem:$0x3FDB];
	s0 =	simm.s32 @p2 $0x1  }
0x17: {  	s4 =	simm.s32 $0x1BF5;
	[smem:$0x3FB3] =	sst s0  }
0x18: {  	s0 =	sld [smem:$0x3F96];
	_ =	swait.ge [sflag:s4], $0x0  }
0x19: {  	s7 =	sld [smem:$0x3F97]  }
0x1a: {  	s8 =	sadd.s32 $0xFFFFE003, lr  }
0x1b: {  	s9 =	sadd.s32 $0xFFFFFEF7, lr;
	s5 =	simm.s32 $0xFFFFFFFF;
	p2 =	slt.u32 s8, $0xFFFFF086  }
0x1c: {  	p1 =	slt.u32 s9, $0xF7A;
	s5 =	simm.s32 @!p2 $0x0  }
0x1d: {  	s5 =	simm.s32 @p1 $0x1;
	p0 =	seq.s32 s7, s2  }
0x1e: {  	s7 =	smul.u32 @!p0 $0xF7A, s2;
	p2 =	seq.s32 @!p0 s5, $0x0  }
0x1f: {  	s9 =	smul.u32 $0xF7A, s1;
	s8 =	simm.s32 @!p0 $0x1BF5;
	p2 =	por !p2, p0  }
0x20: {  	[sflag:s8] =	ssyncset.s32 @!p0 $0xFFFFF086;
	s6 =	sadd.s32 @!p0 s3, s7;
	s7 =	simm.s32 @!p0 $0x108  }
0x21: {  	s3 =	sadd.s32 s3, s9;
	s6 =	sadd.s32 @!p0 $0x88, s6;
	s7 =	simm.s32 @p2 $0x1082  }
0x22: {  	[simem:s7], [sflag:s8] =	dma.local @!p0 [hbm:s6], $0xF7A  }
0x23: {  	s9 =	sor.u32 $0xD0000000, s2;
	s6 =	simm.s32 $0x108;
	_ =	swait.ge @!p0 [sflag:s8], $0x0  }
0x24: {  	s3 =	sadd.s32 $0x88, s3;
	s6 =	simm.s32 @!p1 $0x1082;
	[sflag:s4] =	ssyncset.s32 $0xFFFFF086  }
0x25: {  	[simem:s6], [sflag:s4] =	dma.local [hbm:s3], $0xF7A  }
0x26: {  	[smem:$0x3F97] =	sst s1;
	(tag) =	ssettag s2;
	_ =	strace s9  }
0x27: {  	s1 =	sld [smem:$0x3FA7]  }
0x28: {  	s2 =	sld [smem:$0x3FA8]  }
0x29: {  	s4 =	sld [smem:$0x3FAA]  }
0x2a: {  	p0 =	seq.s32 s5, $0x0;
	s5 =	sld [smem:$0x3FAB]  }
0x2b: {  	s6 =	sld [smem:$0x3FAC]  }
0x2c: {  	s7 =	sld [smem:$0x3FAD]  }
0x2d: {  	s3 =	simm.s32 $0x108;
	s8 =	sld [smem:$0x3FAE]  }
0x2e: {  	s3 =	simm.s32 @!p0 $0x1082;
	s9 =	sld [smem:$0x3FAF]  }
0x2f: {  	lr =	sadd.s32 s0, s3;
	s0 =	sld [smem:$0x3FA6]  }
0x30: {  	s3 =	sld [smem:$0x3FA9]  }
0x31: {  	[smem:$0x3FB2] =	sst s10  }
0x32: {  	s10 =	sld [smem:$0x3FB0];
	_ =	sdelay $0x3  }
0x33: {  	p0 =	seq.s32 s10, $0x1;
	s10 =	sld [smem:$0x3FB2];
	_ =	sdelay $0x3  }
0x34: {  	[smem:$0x3FB2] =	sst s10  }
0x35: {  	s10 =	sld [smem:$0x3FB1];
	_ =	sdelay $0x3  }
0x36: {  	p1 =	seq.s32 s10, $0x1;
	s10 =	sld [smem:$0x3FB2];
	_ =	sdelay $0x3  }
0x37: {  	[smem:$0x3FB2] =	sst s10  }
0x38: {  	s10 =	sld [smem:$0x3FB3]  }
0x39: {  	_ = 	snop;
	(pc) =	sbr.ind lr, $3  }
0x3a: {  	_ = 	snop  }
0x3b: {  	_ = 	snop  }
0x3c: {  	p2 =	seq.s32 s10, $0x1;
	s10 =	sld [smem:$0x3FB2]  }
0x3d: {  	_ =	shalt  }
0x3e: {  	_ =	shalt  }
0x3f: {  	_ =	shalt  }
0x40: {  	_ =	shalt  }
0x41: {  	_ =	shalt  }
0x42: {  	_ =	shalt  }
0x43: {  	_ =	shalt  }
0x44: {  	_ =	shalt  }
0x45: {  	_ =	shalt  }
0x46: {  	_ =	shalt  }
0x47: {  	_ =	shalt  }
0x48: {  	_ =	shalt  }
0x49: {  	_ =	shalt  }
0x4a: {  	_ =	shalt  }
0x4b: {  	_ =	shalt  }
0x4c: {  	_ =	shalt  }
0x4d: {  	_ =	shalt  }
0x4e: {  	_ =	shalt  }
0x4f: {  	_ =	shalt  }
0x50: {  	_ =	shalt  }
0x51: {  	_ =	shalt  }
0x52: {  	_ =	shalt  }
0x53: {  	_ =	shalt  }
0x54: {  	_ =	shalt  }
0x55: {  	_ =	shalt  }
0x56: {  	_ =	shalt  }
0x57: {  	_ =	shalt  }
0x58: {  	_ =	shalt  }
0x59: {  	_ =	shalt  }
0x5a: {  	_ =	shalt  }
0x5b: {  	_ =	shalt  }
0x5c: {  	_ =	shalt  }
0x5d: {  	_ =	shalt  }
0x5e: {  	_ =	shalt  }
0x5f: {  	_ =	shalt  }
0x60: {  	_ =	shalt  }
0x61: {  	_ =	shalt  }
0x62: {  	_ =	shalt  }
0x63: {  	_ =	shalt  }
0x64: {  	_ =	shalt  }
0x65: {  	_ =	shalt  }
0x66: {  	_ =	shalt  }
0x67: {  	_ =	shalt  }
0x68: {  	_ =	shalt  }
0x69: {  	_ =	shalt  }
0x6a: {  	_ =	shalt  }
0x6b: {  	_ =	shalt  }
0x6c: {  	_ =	shalt  }
0x6d: {  	_ =	shalt  }
0x6e: {  	_ =	shalt  }
0x6f: {  	_ =	shalt  }
0x70: {  	_ =	shalt  }
0x71: {  	_ =	shalt  }
0x72: {  	_ =	shalt  }
0x73: {  	_ =	shalt  }
0x74: {  	_ =	shalt  }
0x75: {  	_ =	shalt  }
0x76: {  	_ =	shalt  }
0x77: {  	_ =	shalt  }
0x78: {  	_ =	shalt  }
0x79: {  	_ =	shalt  }
0x7a: {  	_ =	shalt  }
0x7b: {  	_ =	shalt  }
0x7c: {  	_ =	shalt  }
0x7d: {  	_ =	shalt  }
0x7e: {  	_ =	shalt  }
0x7f: {  	_ =	shalt  }
0x80: {  	_ =	shalt  }
0x81: {  	_ =	shalt  }
0x82: {  	_ =	shalt  }
0x83: {  	_ =	shalt  }
0x84: {  	_ =	shalt  }
0x85: {  	_ =	shalt  }
0x86: {  	_ =	shalt  }
0x87: {  	_ =	shalt  }
.Lfunc_end0:
.L_simem_size_0:
called_computation.1_lowered:
.L_overlay_start_0:
0x88: {  	s2 =	sld [smem:$0x3FD9]  }
0x89: {  	s3 =	sld [smem:$0x3FFE];
	_ =	sdelay $0x1  }
0x8a: {  	s1 =	srdreg.scid  }
0x8b: {  	s0 =	sand.u32 $0x1, s1  }
0x8c: {  	s17 =	sshll.u32 s0, $0xA;
	s2 =	sadd.s32 s3, s2  }
0x8d: {  	s2 =	sadd.s32 s2, s17  }
0x8e: {  	[smem:$0x3FBE] =	sst s2  }
0x8f: {  	_ = 	snop  }
0x90: {  	s2 =	sld [smem:$0x3FD0];
	(tm) =	ssettm $0x1  }
0x91: {  	s18 =	sld [smem:$0x3FFB];
	_ =	sdelay $0x3  }
0x92: {  	_ =	strace s18  }
0x93: {  	s3 =	sld [smem:$0x3FFC];
	_ =	sdelay $0x3  }
0x94: {  	_ =	strace s3  }
0x95: {  	s3 =	sld [smem:$0x3FFD];
	_ =	sdelay $0x3  }
0x96: {  	_ =	strace s3  }
0x97: {  	_ =	strace $0x8FFFFFFF  }
0x98: {  	s19 =	sld [smem:$0x3FDB];
	_ =	sdelay $0x1  }
0x99: {  	s4 =	simm.s32 $_scs_section_size  }
0x9a: {  	s5 =	simm.s32 $_size__tile_overlayer_lowered;
	s6 =	simm.s32 $_tile_overlayer_lowered  }
0x9b: {  	s22 =	simm.s32 $0x1BFF;
	s21 =	sshll.u32 s6, $0x1;
	s3 =	sadd.s32 s4, s19  }
0x9c: {  	s7 =	simm.s32 $0x0;
	s20 =	sshll.u32 s5, $0x1;
	s5 =	sadd.s32 s21, s3  }
0x9d: {  	[timem:s7], [sflag:s22] =	dma.local [hbm:s5], s20  }
0x9e: {  	_ =	swait.ge [sflag:s22], s20  }
0x9f: {  	s4 =	ssub.s32 $0x0, s20;
	[sflag:s22] =	ssyncset.done $0x0  }
0xa0: {  	[sflag:s22] =	ssyncadd.s32 s4;
	_ =	sdelay $0x1  }
0xa1: {  	s23 =	simm.s32 $0x1B8B  }
0xa2: {  	_ =	swait.ge [sflag:s23], $0x1  }
0xa3: {  	[sflag:s23] =	ssyncset.done $0x0  }
0xa4: {  	s25 =	simm.s32 $0x1B8E;
	s24 =	sld [smem:$0x3FFE];
	[sflag:s23] =	ssyncadd.s32 $0xFFFFFFFF  }
0xa5: {  	s26 =	simm.s32 $execute0_lowered;
	[smem:$0x3FD2] =	sst s25  }
0xa6: {  	s5 =	sshll.u32 s26, $0x1;
	_ =	strace $0x80000049;
	[dreg:$0x1] =	wrdreg $0xFFFFFFFF  }
0xa7: {  	s28 =	simm.s32 $_size_execute0_lowered;
	s3 =	sadd.s32 s3, s5;
	[dreg:$0x0] =	wrdreg $0x0  }
0xa8: {  	s5 =	sshll.u32 s28, $0x1;
	[dreg:$0x2] =	wrdreg s3  }
0xa9: {  	[dreg:$0x3] =	wrdreg s5  }
0xaa: {  	[dreg:$0x4] =	wrdreg $0xC0  }
0xab: {  	_ =	task [dreg:s7], $0x5FFFF  }
0xac: {  	[dreg:$0x1] =	wrdreg $0xFFFFFFFF  }
0xad: {  	[dreg:$0x0] =	wrdreg $0x60  }
0xae: {  	[dreg:$0x2] =	wrdreg s24  }
0xaf: {  	[dreg:$0x3] =	wrdreg s2  }
0xb0: {  	[dreg:$0x4] =	wrdreg $0xA0000  }
0xb1: {  	[dreg:$0x5] =	wrdreg $0x9  }
0xb2: {  	_ =	task.clear_ibuf [dreg:s7], $0x6FFFF;
	_ =	strace $0x90000049  }
0xb3: {  	s29 =	simm.s32 $0x9;
	_ =	strace $0x8000004B  }
0xb4: {  	_ =	swait.ge [sflag:s29], $0x1  }
0xb5: {  	[sflag:s29] =	ssyncadd.s32 $0xFFFFFFFF  }
0xb6: {  	_ =	strace $0x9000004B  }
0xb7: {  	_ =	sfence  }
0xb8: {  	s30 =	sld [smem:$0x0];
	_ =	sdelay $0x2  }
0xb9: {  	s31 =	sshll.u32 s1, $0xD;
	s1 =	sshrl.u32 s1, $0x2  }
0xba: {  	s3 =	sand.u32 $0x4000, s31;
	s1 =	sadd.s32 s1, s30  }
0xbb: {  	s0 =	sor.u32 s3, s0;
	s1 =	sshll.u32 s1, $0x11  }
0xbc: {  	s0 =	sor.u32 s1, s0  }
0xbd: {  	s0 =	sadd.s32 $0x8F2B, s0  }
0xbe: {  	[sflag:s0] =	ssyncadd.remote.s32 $0x1  }
0xbf: {  	_ =	sfence.sel $0xFFFF  }
0xc0: {  	[dreg:$0x0] =	wrdreg $0xFFFFFFFF;
	(pc) =	sbr.abs _section_cstart, $3  }
0xc1: {  	[dreg:$0x1] =	wrdreg $0xFFFFFFFF  }
0xc2: {  	_ =	task.clear_ibuf [dreg:s7], $0x2FFFF;
	_ =	strace $0x9FFFFFFF  }
0xc3: {  	(tm) =	ssettm $0x7FFFFFFF  }
tec
execute0_lowered:
.L_overlay_start_1:
0x0: {  	(tag) =	ssettag $0x1  }
0x1: {  	s6 =	rddreg [dreg:$0x0]  }
0x2: {  	s1 =	srdreg.scid;
	s8 =	rddreg [dreg:$0x1]  }
0x3: {  	s0 =	stileid.u32;
	s2 =	rddreg [dreg:$0x2]  }
0x4: {  	s3 =	simm.s32 $0x0;
	s15 =	simm.s32 $0x6000;
	s16 =	simm.s32 $0x0  }
0x5: {  	s7 =	sand.u32 $0x1, s1;
	s28 =	sshll.u32 s0, $0x1;
	[smem:$0x7FF] =	sst s3  }
0x6: {  	s11 =	smul.u32 $0x13C00, s0;
	s4 =	sadd.s32 $0x12000, s6;
	s5 =	sadd.s32 $0xF800, s6  }
0x7: {  	s14 =	smul.u32 $0x4F000, s0;
	s31 =	sshll.u32 s0, $0x6;
	s1 =	sor.u32 s7, s28  }
0x8: {  	s10 =	smul.u32 $0x13C000, s7;
	s29 =	ssub.s32 $0x2, s7;
	p0 =	seq.s32 s7, $0x0  }
0x9: {  	s7 =	sor.u32 $0x1C01, s31;
	s9 =	smul.u32 $0x600, s1;
	s1 =	rddreg [dreg:$0x3]  }
0xa: {  	_ =	strace $0x8000004A;
	s13 =	sshrl.u32 s29, $0x1;
	s30 =	sshrl.u32 s14, $0x2  }
0xb: {  	s10 =	sadd.s32 s11, s10;
	s11 =	ssub.s32 s29, s13;
	s14 =	sadd.s32 s30, s2  }
0xc: {  	s13 =	simm.s32 $0x1;
	s12 =	sadd.s32 s9, s6;
	s10 =	sshrl.u32 s10, $0x3  }
0xd: {  	s8 =	sadd.s32 s8, s9;
	s11 =	smax.u32 s11, $0x1;
	s10 =	sadd.s32 s10, s6  }
0xe: {  	s6 =	simm.s32 $0x5E;
	s9 =	sadd.s32 $0x3800, s12;
	s12 =	sshrl.u32 s14, $0x3  }
0xf: {  	s14 =	simm.s32 $0x80;
	s6 =	simm.s32 @!p0 $0x3F;
	s10 =	sadd.s32 $0x39800, s10  }
.LBB2_1:
0x10: {  	[spmem:s12], [sflag:s7] =	dma.local [hbm:s5], $0x2780  }
0x11: {  	_ =	swait.ge [sflag:s13], $0x2780  }
0x12: {  	[sflag:s13] =	ssyncset.done $0x0  }
0x13: {  	[sflag:s13] =	ssyncadd.s32 $0xFFFFD880  }
0x14: {  	[tilespmem:s3], [sflag:$0x1] =	stream.linear.gather [hbm4b:s8+s3], $0x2F00, $0x38;
	[tilespmem:$0x1DC00] =	vst v63  }
0x15: {  	_ =	swait.ge [sflag:s13], $0x2F00  }
0x16: {  	[sflag:s13] =	ssyncset.done $0x0  }
0x17: {  	s17 =	simm.s32 $0x3000;
	[sflag:s13] =	ssyncadd.s32 $0xFFFFD100  }
0x18: {  	[tilespmem:s17], [sflag:$0x1] =	stream.linear.gather [hbm4b:s9+s3], $0x2F00, $0x38;
	[tilespmem:$0x1DC00] =	vst v63  }
0x19: {  	_ =	swait.ge [sflag:s13], $0x2F00  }
0x1a: {  	[sflag:s13] =	ssyncset.done $0x0  }
0x1b: {  	[sflag:s13] =	ssyncadd.s32 $0xFFFFD100  }
0x1c: {  	[bflag:$0x0] =	sbarrier.arrive $0xFFFF  }
0x1d: {  	[tilespmem:s15], [sflag:$0x1] =	stream.indirect.gather [hbm4b:s4+s14], $0x80, s3, s14, $0xb8;
	[tilespmem:$0x1DC00] =	vst v63  }
0x1e: {  	p0 =	sne.s32 s6, $0x1;
	_ =	swait.ge [sflag:s13], $0x4000  }
.Ltmp0:
0x1f: {  	[sflag:s13] =	ssyncset.done $0x0;
	(pc) =	sbr.rel @!p0 .LBB2_3-.Ltmp0, $4  }
0x20: {  	[sflag:s13] =	ssyncadd.s32 $0xFFFFC000  }
0x21: {  	[spmem:s2] =	stream.indirect.scatter.add.f32 [tilespmem:s15], [sflag:$0x1], $0x80, s17, s14, $0xb8;
	[tilespmem:$0x1DC00] =	vst v63  }
0x22: {  	_ =	swait.ge [sflag:s13], $0x4000  }
0x23: {  	s18 =	sadd.s32 $0xFFFFFFFF, s6;
	s19 =	simm.s32 $0x0;
	[sflag:s13] =	ssyncset.done $0x0  }
.LBB2_2:
0x24: {  	[sflag:s13] =	ssyncadd.s32 $0xFFFFC000;
	s19 =	sadd.s32 $0x80, s19;
	s17 =	sadd.s32 $0x80, s17  }
0x25: {  	[tilespmem:s15], [sflag:$0x1] =	stream.indirect.gather [hbm4b:s4+s14], $0x80, s19, s14, $0xb8;
	[tilespmem:$0x1DC00] =	vst v63  }
0x26: {  	p0 =	sne.s32 s18, $0x1;
	s18 =	sadd.s32 $0xFFFFFFFF, s18;
	_ =	swait.ge [sflag:s13], $0x4000  }
.Ltmp1:
0x27: {  	[sflag:s13] =	ssyncset.done $0x0;
	(pc) =	sbr.rel @p0 .LBB2_2-.Ltmp1, $4  }
0x28: {  	[sflag:s13] =	ssyncadd.s32 $0xFFFFC000  }
0x29: {  	[spmem:s2] =	stream.indirect.scatter.add.f32 [tilespmem:s15], [sflag:$0x1], $0x80, s17, s14, $0xb8;
	[tilespmem:$0x1DC00] =	vst v63  }
0x2a: {  	_ =	swait.ge [sflag:s13], $0x4000  }
0x2b: {  	[sflag:s13] =	ssyncset.done $0x0  }
.LBB2_3:
0x2c: {  	s16 =	sadd.s32 $0x1, s16  }
0x2d: {  	[sflag:s13] =	ssyncadd.s32 $0xFFFFC000;
	p0 =	sne.s32 s16, s11  }
.Ltmp2:
0x2e: {  	[bflag:$0x0] =	sbarrier.arrive $0xFFFF;
	(pc) =	sbr.rel @p0 .LBB2_1-.Ltmp2, $4  }
0x2f: {  	[hbm:s10], [sflag:s7] =	dma.local [spmem:s12], $0x2780  }
0x30: {  	_ =	swait.ge [sflag:s13], $0x2780  }
0x31: {  	[sflag:s13] =	ssyncset.done $0x0  }
0x32: {  	[sflag:s13] =	ssyncadd.s32 $0xFFFFD880  }
0x33: {  	_ =	sfence.sel $0x180000  }
0x34: {  	[bflag:$0x0] =	sbarrier.arrive $0xFFFF  }
0x35: {  	p0 =	sne.s32 s0, $0x0;
	_ =	strace $0x9000004A  }
0x36: {  	s0 =	sadd.s32 @!p0 $0x100000, s1;
	[bflag:$0x2] =	sbarrier.arrive $0xFFFF  }
0x37: {  	[sflag:s0] =	ssyncadd.tile.s32 @!p0 $0x1;
	_ =	shalt  }
.Lfunc_end2:
_tile_overlayer_lowered:
.L_overlay_start_2:
0x38: {  	(tag) =	ssettag $0x2  }
0x39: {  	s0 =	rddreg [dreg:$0x0];
	s2 =	stileid.u32  }
0x3a: {  	s1 =	rddreg [dreg:$0x1];
	p0 =	sne.s32 s2, $0x0  }
0x3b: {  	s3 =	rddreg [dreg:$0x2];
	[bflag:$0x3] =	sbarrier.arrive $0xFFFF;
	s2 =	simm.s32 @!p0 $0x1C01  }
0x3c: {  	[timem:s3], [sflag:s2] =	dma.local @!p0 [hbm:s0], s1  }
0x3d: {  	s0 =	simm.s32 @!p0 $0x1  }
0x3e: {  	_ =	swait.ge @!p0 [sflag:s0], s1  }
0x3f: {  	s1 =	ssub.s32 @!p0 $0x0, s1;
	[sflag:s0] =	ssyncset.done @!p0 $0x0  }
0x40: {  	[sflag:s0] =	ssyncadd.s32 @!p0 s1  }
0x41: {  	[bflag:$0x3] =	sbarrier.arrive $0xFFFF  }
0x42: {  	_ =	shalt  }

// kernel: kernel.19.cloned.1.call-start
scs
__scs_entry_jumppad:
0x0: {  	(pc) =	sbr.rel $0x88, $3  }
0x1: {  	(tag) =	ssettag $0x0;
	lr =	simm.s32 $0x1  }
0x2: {  	[smem:$0x3F97] =	sst lr;
	_ =	strace $0xD0000000  }
0x3: {  	_ = 	snop  }
0x4: {  	_ = 	snop  }
0x5: {  	_ = 	snop  }
0x6: {  	_ = 	snop  }
0x7: {  	_ = 	snop  }
__scs_overlays_trampoline_lowered:
0x8: {  	[smem:$0x3FA6] =	sst s0  }
0x9: {  	[smem:$0x3FA7] =	sst s1  }
0xa: {  	[smem:$0x3FA8] =	sst s2  }
0xb: {  	[smem:$0x3FA9] =	sst s3  }
0xc: {  	[smem:$0x3FAA] =	sst s4  }
0xd: {  	[smem:$0x3FAB] =	sst s5  }
0xe: {  	[smem:$0x3FAC] =	sst s6  }
0xf: {  	[smem:$0x3FAD] =	sst s7  }
0x10: {  	[smem:$0x3FAE] =	sst s8  }
0x11: {  	[smem:$0x3FAF] =	sst s9;
	s0 =	simm.s32 @!p0 $0x0  }
0x12: {  	s1 =	sld [smem:$0x3F95];
	s0 =	simm.s32 @p0 $0x1  }
0x13: {  	[smem:$0x3FB0] =	sst s0;
	s0 =	simm.s32 @!p1 $0x0  }
0x14: {  	s2 =	sld [smem:$0x3F94];
	s0 =	simm.s32 @p1 $0x1  }
0x15: {  	[smem:$0x3FB1] =	sst s0;
	s0 =	simm.s32 @!p2 $0x0  }
0x16: {  	s3 =	sld [smem:$0x3FDB];
	s0 =	simm.s32 @p2 $0x1  }
0x17: {  	s4 =	simm.s32 $0x1BF5;
	[smem:$0x3FB3] =	sst s0  }
0x18: {  	s0 =	sld [smem:$0x3F96];
	_ =	swait.ge [sflag:s4], $0x0  }
0x19: {  	s7 =	sld [smem:$0x3F97]  }
0x1a: {  	s8 =	sadd.s32 $0xFFFFE003, lr  }
0x1b: {  	s9 =	sadd.s32 $0xFFFFFEF7, lr;
	s5 =	simm.s32 $0xFFFFFFFF;
	p2 =	slt.u32 s8, $0xFFFFF086  }
0x1c: {  	p1 =	slt.u32 s9, $0xF7A;
	s5 =	simm.s32 @!p2 $0x0  }
0x1d: {  	s5 =	simm.s32 @p1 $0x1;
	p0 =	seq.s32 s7, s2  }
0x1e: {  	s7 =	smul.u32 @!p0 $0xF7A, s2;
	p2 =	seq.s32 @!p0 s5, $0x0  }
0x1f: {  	s9 =	smul.u32 $0xF7A, s1;
	s8 =	simm.s32 @!p0 $0x1BF5;
	p2 =	por !p2, p0  }
0x20: {  	[sflag:s8] =	ssyncset.s32 @!p0 $0xFFFFF086;
	s6 =	sadd.s32 @!p0 s3, s7;
	s7 =	simm.s32 @!p0 $0x108  }
0x21: {  	s3 =	sadd.s32 s3, s9;
	s6 =	sadd.s32 @!p0 $0x88, s6;
	s7 =	simm.s32 @p2 $0x1082  }
0x22: {  	[simem:s7], [sflag:s8] =	dma.local @!p0 [hbm:s6], $0xF7A  }
0x23: {  	s9 =	sor.u32 $0xD0000000, s2;
	s6 =	simm.s32 $0x108;
	_ =	swait.ge @!p0 [sflag:s8], $0x0  }
0x24: {  	s3 =	sadd.s32 $0x88, s3;
	s6 =	simm.s32 @!p1 $0x1082;
	[sflag:s4] =	ssyncset.s32 $0xFFFFF086  }
0x25: {  	[simem:s6], [sflag:s4] =	dma.local [hbm:s3], $0xF7A  }
0x26: {  	[smem:$0x3F97] =	sst s1;
	(tag) =	ssettag s2;
	_ =	strace s9  }
0x27: {  	s1 =	sld [smem:$0x3FA7]  }
0x28: {  	s2 =	sld [smem:$0x3FA8]  }
0x29: {  	s4 =	sld [smem:$0x3FAA]  }
0x2a: {  	p0 =	seq.s32 s5, $0x0;
	s5 =	sld [smem:$0x3FAB]  }
0x2b: {  	s6 =	sld [smem:$0x3FAC]  }
0x2c: {  	s7 =	sld [smem:$0x3FAD]  }
0x2d: {  	s3 =	simm.s32 $0x108;
	s8 =	sld [smem:$0x3FAE]  }
0x2e: {  	s3 =	simm.s32 @!p0 $0x1082;
	s9 =	sld [smem:$0x3FAF]  }
0x2f: {  	lr =	sadd.s32 s0, s3;
	s0 =	sld [smem:$0x3FA6]  }
0x30: {  	s3 =	sld [smem:$0x3FA9]  }
0x31: {  	[smem:$0x3FB2] =	sst s10  }
0x32: {  	s10 =	sld [smem:$0x3FB0];
	_ =	sdelay $0x3  }
0x33: {  	p0 =	seq.s32 s10, $0x1;
	s10 =	sld [smem:$0x3FB2];
	_ =	sdelay $0x3  }
0x34: {  	[smem:$0x3FB2] =	sst s10  }
0x35: {  	s10 =	sld [smem:$0x3FB1];
	_ =	sdelay $0x3  }
0x36: {  	p1 =	seq.s32 s10, $0x1;
	s10 =	sld [smem:$0x3FB2];
	_ =	sdelay $0x3  }
0x37: {  	[smem:$0x3FB2] =	sst s10  }
0x38: {  	s10 =	sld [smem:$0x3FB3]  }
0x39: {  	_ = 	snop;
	(pc) =	sbr.ind lr, $3  }
0x3a: {  	_ = 	snop  }
0x3b: {  	_ = 	snop  }
0x3c: {  	p2 =	seq.s32 s10, $0x1;
	s10 =	sld [smem:$0x3FB2]  }
0x3d: {  	_ =	shalt  }
0x3e: {  	_ =	shalt  }
0x3f: {  	_ =	shalt  }
0x40: {  	_ =	shalt  }
0x41: {  	_ =	shalt  }
0x42: {  	_ =	shalt  }
0x43: {  	_ =	shalt  }
0x44: {  	_ =	shalt  }
0x45: {  	_ =	shalt  }
0x46: {  	_ =	shalt  }
0x47: {  	_ =	shalt  }
0x48: {  	_ =	shalt  }
0x49: {  	_ =	shalt  }
0x4a: {  	_ =	shalt  }
0x4b: {  	_ =	shalt  }
0x4c: {  	_ =	shalt  }
0x4d: {  	_ =	shalt  }
0x4e: {  	_ =	shalt  }
0x4f: {  	_ =	shalt  }
0x50: {  	_ =	shalt  }
0x51: {  	_ =	shalt  }
0x52: {  	_ =	shalt  }
0x53: {  	_ =	shalt  }
0x54: {  	_ =	shalt  }
0x55: {  	_ =	shalt  }
0x56: {  	_ =	shalt  }
0x57: {  	_ =	shalt  }
0x58: {  	_ =	shalt  }
0x59: {  	_ =	shalt  }
0x5a: {  	_ =	shalt  }
0x5b: {  	_ =	shalt  }
0x5c: {  	_ =	shalt  }
0x5d: {  	_ =	shalt  }
0x5e: {  	_ =	shalt  }
0x5f: {  	_ =	shalt  }
0x60: {  	_ =	shalt  }
0x61: {  	_ =	shalt  }
0x62: {  	_ =	shalt  }
0x63: {  	_ =	shalt  }
0x64: {  	_ =	shalt  }
0x65: {  	_ =	shalt  }
0x66: {  	_ =	shalt  }
0x67: {  	_ =	shalt  }
0x68: {  	_ =	shalt  }
0x69: {  	_ =	shalt  }
0x6a: {  	_ =	shalt  }
0x6b: {  	_ =	shalt  }
0x6c: {  	_ =	shalt  }
0x6d: {  	_ =	shalt  }
0x6e: {  	_ =	shalt  }
0x6f: {  	_ =	shalt  }
0x70: {  	_ =	shalt  }
0x71: {  	_ =	shalt  }
0x72: {  	_ =	shalt  }
0x73: {  	_ =	shalt  }
0x74: {  	_ =	shalt  }
0x75: {  	_ =	shalt  }
0x76: {  	_ =	shalt  }
0x77: {  	_ =	shalt  }
0x78: {  	_ =	shalt  }
0x79: {  	_ =	shalt  }
0x7a: {  	_ =	shalt  }
0x7b: {  	_ =	shalt  }
0x7c: {  	_ =	shalt  }
0x7d: {  	_ =	shalt  }
0x7e: {  	_ =	shalt  }
0x7f: {  	_ =	shalt  }
0x80: {  	_ =	shalt  }
0x81: {  	_ =	shalt  }
0x82: {  	_ =	shalt  }
0x83: {  	_ =	shalt  }
0x84: {  	_ =	shalt  }
0x85: {  	_ =	shalt  }
0x86: {  	_ =	shalt  }
0x87: {  	_ =	shalt  }
.Lfunc_end0:
.L_simem_size_0:
called_computation.2_lowered:
.L_overlay_start_0:
0x88: {  	s2 =	sld [smem:$0x3FD9]  }
0x89: {  	s3 =	sld [smem:$0x3FFE];
	_ =	sdelay $0x1  }
0x8a: {  	s1 =	srdreg.scid  }
0x8b: {  	s0 =	sand.u32 $0x1, s1  }
0x8c: {  	s17 =	sshll.u32 s0, $0xA;
	s2 =	sadd.s32 s3, s2  }
0x8d: {  	s2 =	sadd.s32 s2, s17  }
0x8e: {  	[smem:$0x3FBE] =	sst s2  }
0x8f: {  	_ = 	snop  }
0x90: {  	s2 =	sld [smem:$0x3FD0];
	(tm) =	ssettm $0x1  }
0x91: {  	s18 =	sld [smem:$0x3FFB];
	_ =	sdelay $0x3  }
0x92: {  	_ =	strace s18  }
0x93: {  	s3 =	sld [smem:$0x3FFC];
	_ =	sdelay $0x3  }
0x94: {  	_ =	strace s3  }
0x95: {  	s3 =	sld [smem:$0x3FFD];
	_ =	sdelay $0x3  }
0x96: {  	_ =	strace s3  }
0x97: {  	_ =	strace $0x8FFFFFFF  }
0x98: {  	s19 =	sld [smem:$0x3FDB];
	_ =	sdelay $0x1  }
0x99: {  	s4 =	simm.s32 $_scs_section_size  }
0x9a: {  	s5 =	simm.s32 $_size__tile_overlayer_lowered;
	s6 =	simm.s32 $_tile_overlayer_lowered  }
0x9b: {  	s22 =	simm.s32 $0x1BFF;
	s21 =	sshll.u32 s6, $0x1;
	s3 =	sadd.s32 s4, s19  }
0x9c: {  	s7 =	simm.s32 $0x0;
	s20 =	sshll.u32 s5, $0x1;
	s5 =	sadd.s32 s21, s3  }
0x9d: {  	[timem:s7], [sflag:s22] =	dma.local [hbm:s5], s20  }
0x9e: {  	_ =	swait.ge [sflag:s22], s20  }
0x9f: {  	s4 =	ssub.s32 $0x0, s20;
	[sflag:s22] =	ssyncset.done $0x0  }
0xa0: {  	[sflag:s22] =	ssyncadd.s32 s4;
	_ =	sdelay $0x1  }
0xa1: {  	s23 =	simm.s32 $0x1B8B  }
0xa2: {  	_ =	swait.ge [sflag:s23], $0x1  }
0xa3: {  	[sflag:s23] =	ssyncset.done $0x0  }
0xa4: {  	s25 =	simm.s32 $0x1B8E;
	s24 =	sld [smem:$0x3FFE];
	[sflag:s23] =	ssyncadd.s32 $0xFFFFFFFF  }
0xa5: {  	s26 =	simm.s32 $execute0_lowered;
	[smem:$0x3FD2] =	sst s25  }
0xa6: {  	s5 =	sshll.u32 s26, $0x1;
	_ =	strace $0x8000004C;
	[dreg:$0x1] =	wrdreg $0xFFFFFFFF  }
0xa7: {  	s28 =	simm.s32 $_size_execute0_lowered;
	s3 =	sadd.s32 s3, s5;
	[dreg:$0x0] =	wrdreg $0x0  }
0xa8: {  	s5 =	sshll.u32 s28, $0x1;
	[dreg:$0x2] =	wrdreg s3  }
0xa9: {  	[dreg:$0x3] =	wrdreg s5  }
0xaa: {  	[dreg:$0x4] =	wrdreg $0xC0  }
0xab: {  	_ =	task [dreg:s7], $0x5FFFF  }
0xac: {  	[dreg:$0x1] =	wrdreg $0xFFFFFFFF  }
0xad: {  	[dreg:$0x0] =	wrdreg $0x60  }
0xae: {  	[dreg:$0x2] =	wrdreg s24  }
0xaf: {  	[dreg:$0x3] =	wrdreg s2  }
0xb0: {  	[dreg:$0x4] =	wrdreg $0xA0000  }
0xb1: {  	[dreg:$0x5] =	wrdreg $0x9  }
0xb2: {  	_ =	task.clear_ibuf [dreg:s7], $0x6FFFF;
	_ =	strace $0x9000004C  }
0xb3: {  	s29 =	simm.s32 $0x9;
	_ =	strace $0x8000004E  }
0xb4: {  	_ =	swait.ge [sflag:s29], $0x1  }
0xb5: {  	[sflag:s29] =	ssyncadd.s32 $0xFFFFFFFF  }
0xb6: {  	_ =	strace $0x9000004E  }
0xb7: {  	_ =	sfence  }
0xb8: {  	s30 =	sld [smem:$0x0];
	_ =	sdelay $0x2  }
0xb9: {  	s31 =	sshll.u32 s1, $0xD;
	s1 =	sshrl.u32 s1, $0x2  }
0xba: {  	s3 =	sand.u32 $0x4000, s31;
	s1 =	sadd.s32 s1, s30  }
0xbb: {  	s0 =	sor.u32 s3, s0;
	s1 =	sshll.u32 s1, $0x11  }
0xbc: {  	s0 =	sor.u32 s1, s0  }
0xbd: {  	s0 =	sadd.s32 $0x8F2B, s0  }
0xbe: {  	[sflag:s0] =	ssyncadd.remote.s32 $0x1  }
0xbf: {  	_ =	sfence.sel $0xFFFF  }
0xc0: {  	[dreg:$0x0] =	wrdreg $0xFFFFFFFF;
	(pc) =	sbr.abs _section_cstart, $3  }
0xc1: {  	[dreg:$0x1] =	wrdreg $0xFFFFFFFF  }
0xc2: {  	_ =	task.clear_ibuf [dreg:s7], $0x2FFFF;
	_ =	strace $0x9FFFFFFF  }
0xc3: {  	(tm) =	ssettm $0x7FFFFFFF  }
tec
execute0_lowered:
.L_overlay_start_1:
0x0: {  	(tag) =	ssettag $0x1  }
0x1: {  	s6 =	rddreg [dreg:$0x0]  }
0x2: {  	s1 =	srdreg.scid;
	s8 =	rddreg [dreg:$0x1]  }
0x3: {  	s0 =	stileid.u32;
	s2 =	rddreg [dreg:$0x2]  }
0x4: {  	s3 =	simm.s32 $0x0;
	s15 =	simm.s32 $0x6000;
	s16 =	simm.s32 $0x0  }
0x5: {  	s7 =	sand.u32 $0x1, s1;
	s28 =	sshll.u32 s0, $0x1;
	[smem:$0x7FF] =	sst s3  }
0x6: {  	s11 =	smul.u32 $0x13C00, s0;
	s4 =	sadd.s32 $0x12000, s6;
	s5 =	sadd.s32 $0xF800, s6  }
0x7: {  	s14 =	smul.u32 $0x4F000, s0;
	s31 =	sshll.u32 s0, $0x6;
	s1 =	sor.u32 s7, s28  }
0x8: {  	s10 =	smul.u32 $0x13C000, s7;
	s29 =	ssub.s32 $0x2, s7;
	p0 =	seq.s32 s7, $0x0  }
0x9: {  	s7 =	sor.u32 $0x1C01, s31;
	s9 =	smul.u32 $0x600, s1;
	s1 =	rddreg [dreg:$0x3]  }
0xa: {  	_ =	strace $0x8000004D;
	s13 =	sshrl.u32 s29, $0x1;
	s30 =	sshrl.u32 s14, $0x2  }
0xb: {  	s10 =	sadd.s32 s11, s10;
	s11 =	ssub.s32 s29, s13;
	s14 =	sadd.s32 s30, s2  }
0xc: {  	s13 =	simm.s32 $0x1;
	s12 =	sadd.s32 s9, s6;
	s10 =	sshrl.u32 s10, $0x3  }
0xd: {  	s8 =	sadd.s32 s8, s9;
	s11 =	smax.u32 s11, $0x1;
	s10 =	sadd.s32 s10, s6  }
0xe: {  	s6 =	simm.s32 $0x5E;
	s9 =	sadd.s32 $0x3800, s12;
	s12 =	sshrl.u32 s14, $0x3  }
0xf: {  	s14 =	simm.s32 $0x80;
	s6 =	simm.s32 @!p0 $0x3F;
	s10 =	sadd.s32 $0x39800, s10  }
.LBB2_1:
0x10: {  	[spmem:s12], [sflag:s7] =	dma.local [hbm:s5], $0x2780  }
0x11: {  	_ =	swait.ge [sflag:s13], $0x2780  }
0x12: {  	[sflag:s13] =	ssyncset.done $0x0  }
0x13: {  	[sflag:s13] =	ssyncadd.s32 $0xFFFFD880  }
0x14: {  	[tilespmem:s3], [sflag:$0x1] =	stream.linear.gather [hbm4b:s8+s3], $0x2F00, $0x38;
	[tilespmem:$0x1DC00] =	vst v63  }
0x15: {  	_ =	swait.ge [sflag:s13], $0x2F00  }
0x16: {  	[sflag:s13] =	ssyncset.done $0x0  }
0x17: {  	s17 =	simm.s32 $0x3000;
	[sflag:s13] =	ssyncadd.s32 $0xFFFFD100  }
0x18: {  	[tilespmem:s17], [sflag:$0x1] =	stream.linear.gather [hbm4b:s9+s3], $0x2F00, $0x38;
	[tilespmem:$0x1DC00] =	vst v63  }
0x19: {  	_ =	swait.ge [sflag:s13], $0x2F00  }
0x1a: {  	[sflag:s13] =	ssyncset.done $0x0  }
0x1b: {  	[sflag:s13] =	ssyncadd.s32 $0xFFFFD100  }
0x1c: {  	[bflag:$0x0] =	sbarrier.arrive $0xFFFF  }
0x1d: {  	[tilespmem:s15], [sflag:$0x1] =	stream.indirect.gather [hbm4b:s4+s14], $0x80, s3, s14, $0xb8;
	[tilespmem:$0x1DC00] =	vst v63  }
0x1e: {  	p0 =	sne.s32 s6, $0x1;
	_ =	swait.ge [sflag:s13], $0x4000  }
.Ltmp0:
0x1f: {  	[sflag:s13] =	ssyncset.done $0x0;
	(pc) =	sbr.rel @!p0 .LBB2_3-.Ltmp0, $4  }
0x20: {  	[sflag:s13] =	ssyncadd.s32 $0xFFFFC000  }
0x21: {  	[spmem:s2] =	stream.indirect.scatter.add.f32 [tilespmem:s15], [sflag:$0x1], $0x80, s17, s14, $0xb8;
	[tilespmem:$0x1DC00] =	vst v63  }
0x22: {  	_ =	swait.ge [sflag:s13], $0x4000  }
0x23: {  	s18 =	sadd.s32 $0xFFFFFFFF, s6;
	s19 =	simm.s32 $0x0;
	[sflag:s13] =	ssyncset.done $0x0  }
.LBB2_2:
0x24: {  	[sflag:s13] =	ssyncadd.s32 $0xFFFFC000;
	s19 =	sadd.s32 $0x80, s19;
	s17 =	sadd.s32 $0x80, s17  }
0x25: {  	[tilespmem:s15], [sflag:$0x1] =	stream.indirect.gather [hbm4b:s4+s14], $0x80, s19, s14, $0xb8;
	[tilespmem:$0x1DC00] =	vst v63  }
0x26: {  	p0 =	sne.s32 s18, $0x1;
	s18 =	sadd.s32 $0xFFFFFFFF, s18;
	_ =	swait.ge [sflag:s13], $0x4000  }
.Ltmp1:
0x27: {  	[sflag:s13] =	ssyncset.done $0x0;
	(pc) =	sbr.rel @p0 .LBB2_2-.Ltmp1, $4  }
0x28: {  	[sflag:s13] =	ssyncadd.s32 $0xFFFFC000  }
0x29: {  	[spmem:s2] =	stream.indirect.scatter.add.f32 [tilespmem:s15], [sflag:$0x1], $0x80, s17, s14, $0xb8;
	[tilespmem:$0x1DC00] =	vst v63  }
0x2a: {  	_ =	swait.ge [sflag:s13], $0x4000  }
0x2b: {  	[sflag:s13] =	ssyncset.done $0x0  }
.LBB2_3:
0x2c: {  	s16 =	sadd.s32 $0x1, s16  }
0x2d: {  	[sflag:s13] =	ssyncadd.s32 $0xFFFFC000;
	p0 =	sne.s32 s16, s11  }
.Ltmp2:
0x2e: {  	[bflag:$0x0] =	sbarrier.arrive $0xFFFF;
	(pc) =	sbr.rel @p0 .LBB2_1-.Ltmp2, $4  }
0x2f: {  	[hbm:s10], [sflag:s7] =	dma.local [spmem:s12], $0x2780  }
0x30: {  	_ =	swait.ge [sflag:s13], $0x2780  }
0x31: {  	[sflag:s13] =	ssyncset.done $0x0  }
0x32: {  	[sflag:s13] =	ssyncadd.s32 $0xFFFFD880  }
0x33: {  	_ =	sfence.sel $0x180000  }
0x34: {  	[bflag:$0x0] =	sbarrier.arrive $0xFFFF  }
0x35: {  	p0 =	sne.s32 s0, $0x0;
	_ =	strace $0x9000004D  }
0x36: {  	s0 =	sadd.s32 @!p0 $0x100000, s1;
	[bflag:$0x2] =	sbarrier.arrive $0xFFFF  }
0x37: {  	[sflag:s0] =	ssyncadd.tile.s32 @!p0 $0x1;
	_ =	shalt  }
.Lfunc_end2:
_tile_overlayer_lowered:
.L_overlay_start_2:
0x38: {  	(tag) =	ssettag $0x2  }
0x39: {  	s0 =	rddreg [dreg:$0x0];
	s2 =	stileid.u32  }
0x3a: {  	s1 =	rddreg [dreg:$0x1];
	p0 =	sne.s32 s2, $0x0  }
0x3b: {  	s3 =	rddreg [dreg:$0x2];
	[bflag:$0x3] =	sbarrier.arrive $0xFFFF;
	s2 =	simm.s32 @!p0 $0x1C01  }
0x3c: {  	[timem:s3], [sflag:s2] =	dma.local @!p0 [hbm:s0], s1  }
0x3d: {  	s0 =	simm.s32 @!p0 $0x1  }
0x3e: {  	_ =	swait.ge @!p0 [sflag:s0], s1  }
0x3f: {  	s1 =	ssub.s32 @!p0 $0x0, s1;
	[sflag:s0] =	ssyncset.done @!p0 $0x0  }
0x40: {  	[sflag:s0] =	ssyncadd.s32 @!p0 s1  }
0x41: {  	[bflag:$0x3] =	sbarrier.arrive $0xFFFF  }
0x42: {  	_ =	shalt  }

// kernel: kernel.22.cloned.1.call-start
scs
__scs_entry_jumppad:
0x0: {  	(pc) =	sbr.rel $0x88, $3  }
0x1: {  	(tag) =	ssettag $0x0;
	lr =	simm.s32 $0x1  }
0x2: {  	[smem:$0x3F97] =	sst lr;
	_ =	strace $0xD0000000  }
0x3: {  	_ = 	snop  }
0x4: {  	_ = 	snop  }
0x5: {  	_ = 	snop  }
0x6: {  	_ = 	snop  }
0x7: {  	_ = 	snop  }
__scs_overlays_trampoline_lowered:
0x8: {  	[smem:$0x3FA6] =	sst s0  }
0x9: {  	[smem:$0x3FA7] =	sst s1  }
0xa: {  	[smem:$0x3FA8] =	sst s2  }
0xb: {  	[smem:$0x3FA9] =	sst s3  }
0xc: {  	[smem:$0x3FAA] =	sst s4  }
0xd: {  	[smem:$0x3FAB] =	sst s5  }
0xe: {  	[smem:$0x3FAC] =	sst s6  }
0xf: {  	[smem:$0x3FAD] =	sst s7  }
0x10: {  	[smem:$0x3FAE] =	sst s8  }
0x11: {  	[smem:$0x3FAF] =	sst s9;
	s0 =	simm.s32 @!p0 $0x0  }
0x12: {  	s1 =	sld [smem:$0x3F95];
	s0 =	simm.s32 @p0 $0x1  }
0x13: {  	[smem:$0x3FB0] =	sst s0;
	s0 =	simm.s32 @!p1 $0x0  }
0x14: {  	s2 =	sld [smem:$0x3F94];
	s0 =	simm.s32 @p1 $0x1  }
0x15: {  	[smem:$0x3FB1] =	sst s0;
	s0 =	simm.s32 @!p2 $0x0  }
0x16: {  	s3 =	sld [smem:$0x3FDB];
	s0 =	simm.s32 @p2 $0x1  }
0x17: {  	s4 =	simm.s32 $0x1BF5;
	[smem:$0x3FB3] =	sst s0  }
0x18: {  	s0 =	sld [smem:$0x3F96];
	_ =	swait.ge [sflag:s4], $0x0  }
0x19: {  	s7 =	sld [smem:$0x3F97]  }
0x1a: {  	s8 =	sadd.s32 $0xFFFFE003, lr  }
0x1b: {  	s9 =	sadd.s32 $0xFFFFFEF7, lr;
	s5 =	simm.s32 $0xFFFFFFFF;
	p2 =	slt.u32 s8, $0xFFFFF086  }
0x1c: {  	p1 =	slt.u32 s9, $0xF7A;
	s5 =	simm.s32 @!p2 $0x0  }
0x1d: {  	s5 =	simm.s32 @p1 $0x1;
	p0 =	seq.s32 s7, s2  }
0x1e: {  	s7 =	smul.u32 @!p0 $0xF7A, s2;
	p2 =	seq.s32 @!p0 s5, $0x0  }
0x1f: {  	s9 =	smul.u32 $0xF7A, s1;
	s8 =	simm.s32 @!p0 $0x1BF5;
	p2 =	por !p2, p0  }
0x20: {  	[sflag:s8] =	ssyncset.s32 @!p0 $0xFFFFF086;
	s6 =	sadd.s32 @!p0 s3, s7;
	s7 =	simm.s32 @!p0 $0x108  }
0x21: {  	s3 =	sadd.s32 s3, s9;
	s6 =	sadd.s32 @!p0 $0x88, s6;
	s7 =	simm.s32 @p2 $0x1082  }
0x22: {  	[simem:s7], [sflag:s8] =	dma.local @!p0 [hbm:s6], $0xF7A  }
0x23: {  	s9 =	sor.u32 $0xD0000000, s2;
	s6 =	simm.s32 $0x108;
	_ =	swait.ge @!p0 [sflag:s8], $0x0  }
0x24: {  	s3 =	sadd.s32 $0x88, s3;
	s6 =	simm.s32 @!p1 $0x1082;
	[sflag:s4] =	ssyncset.s32 $0xFFFFF086  }
0x25: {  	[simem:s6], [sflag:s4] =	dma.local [hbm:s3], $0xF7A  }
0x26: {  	[smem:$0x3F97] =	sst s1;
	(tag) =	ssettag s2;
	_ =	strace s9  }
0x27: {  	s1 =	sld [smem:$0x3FA7]  }
0x28: {  	s2 =	sld [smem:$0x3FA8]  }
0x29: {  	s4 =	sld [smem:$0x3FAA]  }
0x2a: {  	p0 =	seq.s32 s5, $0x0;
	s5 =	sld [smem:$0x3FAB]  }
0x2b: {  	s6 =	sld [smem:$0x3FAC]  }
0x2c: {  	s7 =	sld [smem:$0x3FAD]  }
0x2d: {  	s3 =	simm.s32 $0x108;
	s8 =	sld [smem:$0x3FAE]  }
0x2e: {  	s3 =	simm.s32 @!p0 $0x1082;
	s9 =	sld [smem:$0x3FAF]  }
0x2f: {  	lr =	sadd.s32 s0, s3;
	s0 =	sld [smem:$0x3FA6]  }
0x30: {  	s3 =	sld [smem:$0x3FA9]  }
0x31: {  	[smem:$0x3FB2] =	sst s10  }
0x32: {  	s10 =	sld [smem:$0x3FB0];
	_ =	sdelay $0x3  }
0x33: {  	p0 =	seq.s32 s10, $0x1;
	s10 =	sld [smem:$0x3FB2];
	_ =	sdelay $0x3  }
0x34: {  	[smem:$0x3FB2] =	sst s10  }
0x35: {  	s10 =	sld [smem:$0x3FB1];
	_ =	sdelay $0x3  }
0x36: {  	p1 =	seq.s32 s10, $0x1;
	s10 =	sld [smem:$0x3FB2];
	_ =	sdelay $0x3  }
0x37: {  	[smem:$0x3FB2] =	sst s10  }
0x38: {  	s10 =	sld [smem:$0x3FB3]  }
0x39: {  	_ = 	snop;
	(pc) =	sbr.ind lr, $3  }
0x3a: {  	_ = 	snop  }
0x3b: {  	_ = 	snop  }
0x3c: {  	p2 =	seq.s32 s10, $0x1;
	s10 =	sld [smem:$0x3FB2]  }
0x3d: {  	_ =	shalt  }
0x3e: {  	_ =	shalt  }
0x3f: {  	_ =	shalt  }
0x40: {  	_ =	shalt  }
0x41: {  	_ =	shalt  }
0x42: {  	_ =	shalt  }
0x43: {  	_ =	shalt  }
0x44: {  	_ =	shalt  }
0x45: {  	_ =	shalt  }
0x46: {  	_ =	shalt  }
0x47: {  	_ =	shalt  }
0x48: {  	_ =	shalt  }
0x49: {  	_ =	shalt  }
0x4a: {  	_ =	shalt  }
0x4b: {  	_ =	shalt  }
0x4c: {  	_ =	shalt  }
0x4d: {  	_ =	shalt  }
0x4e: {  	_ =	shalt  }
0x4f: {  	_ =	shalt  }
0x50: {  	_ =	shalt  }
0x51: {  	_ =	shalt  }
0x52: {  	_ =	shalt  }
0x53: {  	_ =	shalt  }
0x54: {  	_ =	shalt  }
0x55: {  	_ =	shalt  }
0x56: {  	_ =	shalt  }
0x57: {  	_ =	shalt  }
0x58: {  	_ =	shalt  }
0x59: {  	_ =	shalt  }
0x5a: {  	_ =	shalt  }
0x5b: {  	_ =	shalt  }
0x5c: {  	_ =	shalt  }
0x5d: {  	_ =	shalt  }
0x5e: {  	_ =	shalt  }
0x5f: {  	_ =	shalt  }
0x60: {  	_ =	shalt  }
0x61: {  	_ =	shalt  }
0x62: {  	_ =	shalt  }
0x63: {  	_ =	shalt  }
0x64: {  	_ =	shalt  }
0x65: {  	_ =	shalt  }
0x66: {  	_ =	shalt  }
0x67: {  	_ =	shalt  }
0x68: {  	_ =	shalt  }
0x69: {  	_ =	shalt  }
0x6a: {  	_ =	shalt  }
0x6b: {  	_ =	shalt  }
0x6c: {  	_ =	shalt  }
0x6d: {  	_ =	shalt  }
0x6e: {  	_ =	shalt  }
0x6f: {  	_ =	shalt  }
0x70: {  	_ =	shalt  }
0x71: {  	_ =	shalt  }
0x72: {  	_ =	shalt  }
0x73: {  	_ =	shalt  }
0x74: {  	_ =	shalt  }
0x75: {  	_ =	shalt  }
0x76: {  	_ =	shalt  }
0x77: {  	_ =	shalt  }
0x78: {  	_ =	shalt  }
0x79: {  	_ =	shalt  }
0x7a: {  	_ =	shalt  }
0x7b: {  	_ =	shalt  }
0x7c: {  	_ =	shalt  }
0x7d: {  	_ =	shalt  }
0x7e: {  	_ =	shalt  }
0x7f: {  	_ =	shalt  }
0x80: {  	_ =	shalt  }
0x81: {  	_ =	shalt  }
0x82: {  	_ =	shalt  }
0x83: {  	_ =	shalt  }
0x84: {  	_ =	shalt  }
0x85: {  	_ =	shalt  }
0x86: {  	_ =	shalt  }
0x87: {  	_ =	shalt  }
.Lfunc_end0:
.L_simem_size_0:
called_computation.3_lowered:
.L_overlay_start_0:
0x88: {  	s2 =	sld [smem:$0x3FD9]  }
0x89: {  	s3 =	sld [smem:$0x3FFE];
	_ =	sdelay $0x1  }
0x8a: {  	s1 =	srdreg.scid  }
0x8b: {  	s0 =	sand.u32 $0x1, s1  }
0x8c: {  	s17 =	sshll.u32 s0, $0xA;
	s2 =	sadd.s32 s3, s2  }
0x8d: {  	s2 =	sadd.s32 s2, s17  }
0x8e: {  	[smem:$0x3FBE] =	sst s2  }
0x8f: {  	_ = 	snop  }
0x90: {  	s2 =	sld [smem:$0x3FD0];
	(tm) =	ssettm $0x1  }
0x91: {  	s18 =	sld [smem:$0x3FFB];
	_ =	sdelay $0x3  }
0x92: {  	_ =	strace s18  }
0x93: {  	s3 =	sld [smem:$0x3FFC];
	_ =	sdelay $0x3  }
0x94: {  	_ =	strace s3  }
0x95: {  	s3 =	sld [smem:$0x3FFD];
	_ =	sdelay $0x3  }
0x96: {  	_ =	strace s3  }
0x97: {  	_ =	strace $0x8FFFFFFF  }
0x98: {  	s19 =	sld [smem:$0x3FDB];
	_ =	sdelay $0x1  }
0x99: {  	s4 =	simm.s32 $_scs_section_size  }
0x9a: {  	s5 =	simm.s32 $_size__tile_overlayer_lowered;
	s6 =	simm.s32 $_tile_overlayer_lowered  }
0x9b: {  	s22 =	simm.s32 $0x1BFF;
	s21 =	sshll.u32 s6, $0x1;
	s3 =	sadd.s32 s4, s19  }
0x9c: {  	s7 =	simm.s32 $0x0;
	s20 =	sshll.u32 s5, $0x1;
	s5 =	sadd.s32 s21, s3  }
0x9d: {  	[timem:s7], [sflag:s22] =	dma.local [hbm:s5], s20  }
0x9e: {  	_ =	swait.ge [sflag:s22], s20  }
0x9f: {  	s4 =	ssub.s32 $0x0, s20;
	[sflag:s22] =	ssyncset.done $0x0  }
0xa0: {  	[sflag:s22] =	ssyncadd.s32 s4;
	_ =	sdelay $0x1  }
0xa1: {  	s23 =	simm.s32 $0x1B8B  }
0xa2: {  	_ =	swait.ge [sflag:s23], $0x1  }
0xa3: {  	[sflag:s23] =	ssyncset.done $0x0  }
0xa4: {  	s25 =	simm.s32 $0x1B8E;
	s24 =	sld [smem:$0x3FFE];
	[sflag:s23] =	ssyncadd.s32 $0xFFFFFFFF  }
0xa5: {  	s26 =	simm.s32 $execute0_lowered;
	[smem:$0x3FD2] =	sst s25  }
0xa6: {  	s5 =	sshll.u32 s26, $0x1;
	_ =	strace $0x8000004F;
	[dreg:$0x1] =	wrdreg $0xFFFFFFFF  }
0xa7: {  	s28 =	simm.s32 $_size_execute0_lowered;
	s3 =	sadd.s32 s3, s5;
	[dreg:$0x0] =	wrdreg $0x0  }
0xa8: {  	s5 =	sshll.u32 s28, $0x1;
	[dreg:$0x2] =	wrdreg s3  }
0xa9: {  	[dreg:$0x3] =	wrdreg s5  }
0xaa: {  	[dreg:$0x4] =	wrdreg $0xC0  }
0xab: {  	_ =	task [dreg:s7], $0x5FFFF  }
0xac: {  	[dreg:$0x1] =	wrdreg $0xFFFFFFFF  }
0xad: {  	[dreg:$0x0] =	wrdreg $0x60  }
0xae: {  	[dreg:$0x2] =	wrdreg s24  }
0xaf: {  	[dreg:$0x3] =	wrdreg s2  }
0xb0: {  	[dreg:$0x4] =	wrdreg $0xA0000  }
0xb1: {  	[dreg:$0x5] =	wrdreg $0x9  }
0xb2: {  	_ =	task.clear_ibuf [dreg:s7], $0x6FFFF;
	_ =	strace $0x9000004F  }
0xb3: {  	s29 =	simm.s32 $0x9;
	_ =	strace $0x80000051  }
0xb4: {  	_ =	swait.ge [sflag:s29], $0x1  }
0xb5: {  	[sflag:s29] =	ssyncadd.s32 $0xFFFFFFFF  }
0xb6: {  	_ =	strace $0x90000051  }
0xb7: {  	_ =	sfence  }
0xb8: {  	s30 =	sld [smem:$0x0];
	_ =	sdelay $0x2  }
0xb9: {  	s31 =	sshll.u32 s1, $0xD;
	s1 =	sshrl.u32 s1, $0x2  }
0xba: {  	s3 =	sand.u32 $0x4000, s31;
	s1 =	sadd.s32 s1, s30  }
0xbb: {  	s0 =	sor.u32 s3, s0;
	s1 =	sshll.u32 s1, $0x11  }
0xbc: {  	s0 =	sor.u32 s1, s0  }
0xbd: {  	s0 =	sadd.s32 $0x8F2B, s0  }
0xbe: {  	[sflag:s0] =	ssyncadd.remote.s32 $0x1  }
0xbf: {  	_ =	sfence.sel $0xFFFF  }
0xc0: {  	[dreg:$0x0] =	wrdreg $0xFFFFFFFF;
	(pc) =	sbr.abs _section_cstart, $3  }
0xc1: {  	[dreg:$0x1] =	wrdreg $0xFFFFFFFF  }
0xc2: {  	_ =	task.clear_ibuf [dreg:s7], $0x2FFFF;
	_ =	strace $0x9FFFFFFF  }
0xc3: {  	(tm) =	ssettm $0x7FFFFFFF  }
tec
execute0_lowered:
.L_overlay_start_1:
0x0: {  	(tag) =	ssettag $0x1  }
0x1: {  	s6 =	rddreg [dreg:$0x0]  }
0x2: {  	s1 =	srdreg.scid;
	s8 =	rddreg [dreg:$0x1]  }
0x3: {  	s0 =	stileid.u32;
	s2 =	rddreg [dreg:$0x2]  }
0x4: {  	s3 =	simm.s32 $0x0;
	s15 =	simm.s32 $0x6000;
	s16 =	simm.s32 $0x0  }
0x5: {  	s7 =	sand.u32 $0x1, s1;
	s28 =	sshll.u32 s0, $0x1;
	[smem:$0x7FF] =	sst s3  }
0x6: {  	s11 =	smul.u32 $0x13C00, s0;
	s4 =	sadd.s32 $0x12000, s6;
	s5 =	sadd.s32 $0xF800, s6  }
0x7: {  	s14 =	smul.u32 $0x4F000, s0;
	s31 =	sshll.u32 s0, $0x6;
	s1 =	sor.u32 s7, s28  }
0x8: {  	s10 =	smul.u32 $0x13C000, s7;
	s29 =	ssub.s32 $0x2, s7;
	p0 =	seq.s32 s7, $0x0  }
0x9: {  	s7 =	sor.u32 $0x1C01, s31;
	s9 =	smul.u32 $0x600, s1;
	s1 =	rddreg [dreg:$0x3]  }
0xa: {  	_ =	strace $0x80000050;
	s13 =	sshrl.u32 s29, $0x1;
	s30 =	sshrl.u32 s14, $0x2  }
0xb: {  	s10 =	sadd.s32 s11, s10;
	s11 =	ssub.s32 s29, s13;
	s14 =	sadd.s32 s30, s2  }
0xc: {  	s13 =	simm.s32 $0x1;
	s12 =	sadd.s32 s9, s6;
	s10 =	sshrl.u32 s10, $0x3  }
0xd: {  	s8 =	sadd.s32 s8, s9;
	s11 =	smax.u32 s11, $0x1;
	s10 =	sadd.s32 s10, s6  }
0xe: {  	s6 =	simm.s32 $0x5E;
	s9 =	sadd.s32 $0x3800, s12;
	s12 =	sshrl.u32 s14, $0x3  }
0xf: {  	s14 =	simm.s32 $0x80;
	s6 =	simm.s32 @!p0 $0x3F;
	s10 =	sadd.s32 $0x39800, s10  }
.LBB2_1:
0x10: {  	[spmem:s12], [sflag:s7] =	dma.local [hbm:s5], $0x2780  }
0x11: {  	_ =	swait.ge [sflag:s13], $0x2780  }
0x12: {  	[sflag:s13] =	ssyncset.done $0x0  }
0x13: {  	[sflag:s13] =	ssyncadd.s32 $0xFFFFD880  }
0x14: {  	[tilespmem:s3], [sflag:$0x1] =	stream.linear.gather [hbm4b:s8+s3], $0x2F00, $0x38;
	[tilespmem:$0x1DC00] =	vst v63  }
0x15: {  	_ =	swait.ge [sflag:s13], $0x2F00  }
0x16: {  	[sflag:s13] =	ssyncset.done $0x0  }
0x17: {  	s17 =	simm.s32 $0x3000;
	[sflag:s13] =	ssyncadd.s32 $0xFFFFD100  }
0x18: {  	[tilespmem:s17], [sflag:$0x1] =	stream.linear.gather [hbm4b:s9+s3], $0x2F00, $0x38;
	[tilespmem:$0x1DC00] =	vst v63  }
0x19: {  	_ =	swait.ge [sflag:s13], $0x2F00  }
0x1a: {  	[sflag:s13] =	ssyncset.done $0x0  }
0x1b: {  	[sflag:s13] =	ssyncadd.s32 $0xFFFFD100  }
0x1c: {  	[bflag:$0x0] =	sbarrier.arrive $0xFFFF  }
0x1d: {  	[tilespmem:s15], [sflag:$0x1] =	stream.indirect.gather [hbm4b:s4+s14], $0x80, s3, s14, $0xb8;
	[tilespmem:$0x1DC00] =	vst v63  }
0x1e: {  	p0 =	sne.s32 s6, $0x1;
	_ =	swait.ge [sflag:s13], $0x4000  }
.Ltmp0:
0x1f: {  	[sflag:s13] =	ssyncset.done $0x0;
	(pc) =	sbr.rel @!p0 .LBB2_3-.Ltmp0, $4  }
0x20: {  	[sflag:s13] =	ssyncadd.s32 $0xFFFFC000  }
0x21: {  	[spmem:s2] =	stream.indirect.scatter.add.f32 [tilespmem:s15], [sflag:$0x1], $0x80, s17, s14, $0xb8;
	[tilespmem:$0x1DC00] =	vst v63  }
0x22: {  	_ =	swait.ge [sflag:s13], $0x4000  }
0x23: {  	s18 =	sadd.s32 $0xFFFFFFFF, s6;
	s19 =	simm.s32 $0x0;
	[sflag:s13] =	ssyncset.done $0x0  }
.LBB2_2:
0x24: {  	[sflag:s13] =	ssyncadd.s32 $0xFFFFC000;
	s19 =	sadd.s32 $0x80, s19;
	s17 =	sadd.s32 $0x80, s17  }
0x25: {  	[tilespmem:s15], [sflag:$0x1] =	stream.indirect.gather [hbm4b:s4+s14], $0x80, s19, s14, $0xb8;
	[tilespmem:$0x1DC00] =	vst v63  }
0x26: {  	p0 =	sne.s32 s18, $0x1;
	s18 =	sadd.s32 $0xFFFFFFFF, s18;
	_ =	swait.ge [sflag:s13], $0x4000  }
.Ltmp1:
0x27: {  	[sflag:s13] =	ssyncset.done $0x0;
	(pc) =	sbr.rel @p0 .LBB2_2-.Ltmp1, $4  }
0x28: {  	[sflag:s13] =	ssyncadd.s32 $0xFFFFC000  }
0x29: {  	[spmem:s2] =	stream.indirect.scatter.add.f32 [tilespmem:s15], [sflag:$0x1], $0x80, s17, s14, $0xb8;
	[tilespmem:$0x1DC00] =	vst v63  }
0x2a: {  	_ =	swait.ge [sflag:s13], $0x4000  }
0x2b: {  	[sflag:s13] =	ssyncset.done $0x0  }
.LBB2_3:
0x2c: {  	s16 =	sadd.s32 $0x1, s16  }
0x2d: {  	[sflag:s13] =	ssyncadd.s32 $0xFFFFC000;
	p0 =	sne.s32 s16, s11  }
.Ltmp2:
0x2e: {  	[bflag:$0x0] =	sbarrier.arrive $0xFFFF;
	(pc) =	sbr.rel @p0 .LBB2_1-.Ltmp2, $4  }
0x2f: {  	[hbm:s10], [sflag:s7] =	dma.local [spmem:s12], $0x2780  }
0x30: {  	_ =	swait.ge [sflag:s13], $0x2780  }
0x31: {  	[sflag:s13] =	ssyncset.done $0x0  }
0x32: {  	[sflag:s13] =	ssyncadd.s32 $0xFFFFD880  }
0x33: {  	_ =	sfence.sel $0x180000  }
0x34: {  	[bflag:$0x0] =	sbarrier.arrive $0xFFFF  }
0x35: {  	p0 =	sne.s32 s0, $0x0;
	_ =	strace $0x90000050  }
0x36: {  	s0 =	sadd.s32 @!p0 $0x100000, s1;
	[bflag:$0x2] =	sbarrier.arrive $0xFFFF  }
0x37: {  	[sflag:s0] =	ssyncadd.tile.s32 @!p0 $0x1;
	_ =	shalt  }
.Lfunc_end2:
_tile_overlayer_lowered:
.L_overlay_start_2:
0x38: {  	(tag) =	ssettag $0x2  }
0x39: {  	s0 =	rddreg [dreg:$0x0];
	s2 =	stileid.u32  }
0x3a: {  	s1 =	rddreg [dreg:$0x1];
	p0 =	sne.s32 s2, $0x0  }
0x3b: {  	s3 =	rddreg [dreg:$0x2];
	[bflag:$0x3] =	sbarrier.arrive $0xFFFF;
	s2 =	simm.s32 @!p0 $0x1C01  }
0x3c: {  	[timem:s3], [sflag:s2] =	dma.local @!p0 [hbm:s0], s1  }
0x3d: {  	s0 =	simm.s32 @!p0 $0x1  }
0x3e: {  	_ =	swait.ge @!p0 [sflag:s0], s1  }
0x3f: {  	s1 =	ssub.s32 @!p0 $0x0, s1;
	[sflag:s0] =	ssyncset.done @!p0 $0x0  }
0x40: {  	[sflag:s0] =	ssyncadd.s32 @!p0 s1  }
0x41: {  	[bflag:$0x3] =	sbarrier.arrive $0xFFFF  }
0x42: {  	_ =	shalt  }

// kernel: kernel.25.cloned.1.call-start
scs
__scs_entry_jumppad:
0x0: {  	(pc) =	sbr.rel $0x88, $3  }
0x1: {  	(tag) =	ssettag $0x0;
	lr =	simm.s32 $0x1  }
0x2: {  	[smem:$0x3F97] =	sst lr;
	_ =	strace $0xD0000000  }
0x3: {  	_ = 	snop  }
0x4: {  	_ = 	snop  }
0x5: {  	_ = 	snop  }
0x6: {  	_ = 	snop  }
0x7: {  	_ = 	snop  }
__scs_overlays_trampoline_lowered:
0x8: {  	[smem:$0x3FA6] =	sst s0  }
0x9: {  	[smem:$0x3FA7] =	sst s1  }
0xa: {  	[smem:$0x3FA8] =	sst s2  }
0xb: {  	[smem:$0x3FA9] =	sst s3  }
0xc: {  	[smem:$0x3FAA] =	sst s4  }
0xd: {  	[smem:$0x3FAB] =	sst s5  }
0xe: {  	[smem:$0x3FAC] =	sst s6  }
0xf: {  	[smem:$0x3FAD] =	sst s7  }
0x10: {  	[smem:$0x3FAE] =	sst s8  }
0x11: {  	[smem:$0x3FAF] =	sst s9;
	s0 =	simm.s32 @!p0 $0x0  }
0x12: {  	s1 =	sld [smem:$0x3F95];
	s0 =	simm.s32 @p0 $0x1  }
0x13: {  	[smem:$0x3FB0] =	sst s0;
	s0 =	simm.s32 @!p1 $0x0  }
0x14: {  	s2 =	sld [smem:$0x3F94];
	s0 =	simm.s32 @p1 $0x1  }
0x15: {  	[smem:$0x3FB1] =	sst s0;
	s0 =	simm.s32 @!p2 $0x0  }
0x16: {  	s3 =	sld [smem:$0x3FDB];
	s0 =	simm.s32 @p2 $0x1  }
0x17: {  	s4 =	simm.s32 $0x1BF5;
	[smem:$0x3FB3] =	sst s0  }
0x18: {  	s0 =	sld [smem:$0x3F96];
	_ =	swait.ge [sflag:s4], $0x0  }
0x19: {  	s7 =	sld [smem:$0x3F97]  }
0x1a: {  	s8 =	sadd.s32 $0xFFFFE003, lr  }
0x1b: {  	s9 =	sadd.s32 $0xFFFFFEF7, lr;
	s5 =	simm.s32 $0xFFFFFFFF;
	p2 =	slt.u32 s8, $0xFFFFF086  }
0x1c: {  	p1 =	slt.u32 s9, $0xF7A;
	s5 =	simm.s32 @!p2 $0x0  }
0x1d: {  	s5 =	simm.s32 @p1 $0x1;
	p0 =	seq.s32 s7, s2  }
0x1e: {  	s7 =	smul.u32 @!p0 $0xF7A, s2;
	p2 =	seq.s32 @!p0 s5, $0x0  }
0x1f: {  	s9 =	smul.u32 $0xF7A, s1;
	s8 =	simm.s32 @!p0 $0x1BF5;
	p2 =	por !p2, p0  }
0x20: {  	[sflag:s8] =	ssyncset.s32 @!p0 $0xFFFFF086;
	s6 =	sadd.s32 @!p0 s3, s7;
	s7 =	simm.s32 @!p0 $0x108  }
0x21: {  	s3 =	sadd.s32 s3, s9;
	s6 =	sadd.s32 @!p0 $0x88, s6;
	s7 =	simm.s32 @p2 $0x1082  }
0x22: {  	[simem:s7], [sflag:s8] =	dma.local @!p0 [hbm:s6], $0xF7A  }
0x23: {  	s9 =	sor.u32 $0xD0000000, s2;
	s6 =	simm.s32 $0x108;
	_ =	swait.ge @!p0 [sflag:s8], $0x0  }
0x24: {  	s3 =	sadd.s32 $0x88, s3;
	s6 =	simm.s32 @!p1 $0x1082;
	[sflag:s4] =	ssyncset.s32 $0xFFFFF086  }
0x25: {  	[simem:s6], [sflag:s4] =	dma.local [hbm:s3], $0xF7A  }
0x26: {  	[smem:$0x3F97] =	sst s1;
	(tag) =	ssettag s2;
	_ =	strace s9  }
0x27: {  	s1 =	sld [smem:$0x3FA7]  }
0x28: {  	s2 =	sld [smem:$0x3FA8]  }
0x29: {  	s4 =	sld [smem:$0x3FAA]  }
0x2a: {  	p0 =	seq.s32 s5, $0x0;
	s5 =	sld [smem:$0x3FAB]  }
0x2b: {  	s6 =	sld [smem:$0x3FAC]  }
0x2c: {  	s7 =	sld [smem:$0x3FAD]  }
0x2d: {  	s3 =	simm.s32 $0x108;
	s8 =	sld [smem:$0x3FAE]  }
0x2e: {  	s3 =	simm.s32 @!p0 $0x1082;
	s9 =	sld [smem:$0x3FAF]  }
0x2f: {  	lr =	sadd.s32 s0, s3;
	s0 =	sld [smem:$0x3FA6]  }
0x30: {  	s3 =	sld [smem:$0x3FA9]  }
0x31: {  	[smem:$0x3FB2] =	sst s10  }
0x32: {  	s10 =	sld [smem:$0x3FB0];
	_ =	sdelay $0x3  }
0x33: {  	p0 =	seq.s32 s10, $0x1;
	s10 =	sld [smem:$0x3FB2];
	_ =	sdelay $0x3  }
0x34: {  	[smem:$0x3FB2] =	sst s10  }
0x35: {  	s10 =	sld [smem:$0x3FB1];
	_ =	sdelay $0x3  }
0x36: {  	p1 =	seq.s32 s10, $0x1;
	s10 =	sld [smem:$0x3FB2];
	_ =	sdelay $0x3  }
0x37: {  	[smem:$0x3FB2] =	sst s10  }
0x38: {  	s10 =	sld [smem:$0x3FB3]  }
0x39: {  	_ = 	snop;
	(pc) =	sbr.ind lr, $3  }
0x3a: {  	_ = 	snop  }
0x3b: {  	_ = 	snop  }
0x3c: {  	p2 =	seq.s32 s10, $0x1;
	s10 =	sld [smem:$0x3FB2]  }
0x3d: {  	_ =	shalt  }
0x3e: {  	_ =	shalt  }
0x3f: {  	_ =	shalt  }
0x40: {  	_ =	shalt  }
0x41: {  	_ =	shalt  }
0x42: {  	_ =	shalt  }
0x43: {  	_ =	shalt  }
0x44: {  	_ =	shalt  }
0x45: {  	_ =	shalt  }
0x46: {  	_ =	shalt  }
0x47: {  	_ =	shalt  }
0x48: {  	_ =	shalt  }
0x49: {  	_ =	shalt  }
0x4a: {  	_ =	shalt  }
0x4b: {  	_ =	shalt  }
0x4c: {  	_ =	shalt  }
0x4d: {  	_ =	shalt  }
0x4e: {  	_ =	shalt  }
0x4f: {  	_ =	shalt  }
0x50: {  	_ =	shalt  }
0x51: {  	_ =	shalt  }
0x52: {  	_ =	shalt  }
0x53: {  	_ =	shalt  }
0x54: {  	_ =	shalt  }
0x55: {  	_ =	shalt  }
0x56: {  	_ =	shalt  }
0x57: {  	_ =	shalt  }
0x58: {  	_ =	shalt  }
0x59: {  	_ =	shalt  }
0x5a: {  	_ =	shalt  }
0x5b: {  	_ =	shalt  }
0x5c: {  	_ =	shalt  }
0x5d: {  	_ =	shalt  }
0x5e: {  	_ =	shalt  }
0x5f: {  	_ =	shalt  }
0x60: {  	_ =	shalt  }
0x61: {  	_ =	shalt  }
0x62: {  	_ =	shalt  }
0x63: {  	_ =	shalt  }
0x64: {  	_ =	shalt  }
0x65: {  	_ =	shalt  }
0x66: {  	_ =	shalt  }
0x67: {  	_ =	shalt  }
0x68: {  	_ =	shalt  }
0x69: {  	_ =	shalt  }
0x6a: {  	_ =	shalt  }
0x6b: {  	_ =	shalt  }
0x6c: {  	_ =	shalt  }
0x6d: {  	_ =	shalt  }
0x6e: {  	_ =	shalt  }
0x6f: {  	_ =	shalt  }
0x70: {  	_ =	shalt  }
0x71: {  	_ =	shalt  }
0x72: {  	_ =	shalt  }
0x73: {  	_ =	shalt  }
0x74: {  	_ =	shalt  }
0x75: {  	_ =	shalt  }
0x76: {  	_ =	shalt  }
0x77: {  	_ =	shalt  }
0x78: {  	_ =	shalt  }
0x79: {  	_ =	shalt  }
0x7a: {  	_ =	shalt  }
0x7b: {  	_ =	shalt  }
0x7c: {  	_ =	shalt  }
0x7d: {  	_ =	shalt  }
0x7e: {  	_ =	shalt  }
0x7f: {  	_ =	shalt  }
0x80: {  	_ =	shalt  }
0x81: {  	_ =	shalt  }
0x82: {  	_ =	shalt  }
0x83: {  	_ =	shalt  }
0x84: {  	_ =	shalt  }
0x85: {  	_ =	shalt  }
0x86: {  	_ =	shalt  }
0x87: {  	_ =	shalt  }
.Lfunc_end0:
.L_simem_size_0:
called_computation.4_lowered:
.L_overlay_start_0:
0x88: {  	s2 =	sld [smem:$0x3FD9]  }
0x89: {  	s3 =	sld [smem:$0x3FFE];
	_ =	sdelay $0x1  }
0x8a: {  	s1 =	srdreg.scid  }
0x8b: {  	s0 =	sand.u32 $0x1, s1  }
0x8c: {  	s17 =	sshll.u32 s0, $0xA;
	s2 =	sadd.s32 s3, s2  }
0x8d: {  	s2 =	sadd.s32 s2, s17  }
0x8e: {  	[smem:$0x3FBE] =	sst s2  }
0x8f: {  	_ = 	snop  }
0x90: {  	s2 =	sld [smem:$0x3FD0];
	(tm) =	ssettm $0x1  }
0x91: {  	s18 =	sld [smem:$0x3FFB];
	_ =	sdelay $0x3  }
0x92: {  	_ =	strace s18  }
0x93: {  	s3 =	sld [smem:$0x3FFC];
	_ =	sdelay $0x3  }
0x94: {  	_ =	strace s3  }
0x95: {  	s3 =	sld [smem:$0x3FFD];
	_ =	sdelay $0x3  }
0x96: {  	_ =	strace s3  }
0x97: {  	_ =	strace $0x8FFFFFFF  }
0x98: {  	s19 =	sld [smem:$0x3FDB];
	_ =	sdelay $0x1  }
0x99: {  	s4 =	simm.s32 $_scs_section_size  }
0x9a: {  	s5 =	simm.s32 $_size__tile_overlayer_lowered;
	s6 =	simm.s32 $_tile_overlayer_lowered  }
0x9b: {  	s22 =	simm.s32 $0x1BFF;
	s21 =	sshll.u32 s6, $0x1;
	s3 =	sadd.s32 s4, s19  }
0x9c: {  	s7 =	simm.s32 $0x0;
	s20 =	sshll.u32 s5, $0x1;
	s5 =	sadd.s32 s21, s3  }
0x9d: {  	[timem:s7], [sflag:s22] =	dma.local [hbm:s5], s20  }
0x9e: {  	_ =	swait.ge [sflag:s22], s20  }
0x9f: {  	s4 =	ssub.s32 $0x0, s20;
	[sflag:s22] =	ssyncset.done $0x0  }
0xa0: {  	[sflag:s22] =	ssyncadd.s32 s4;
	_ =	sdelay $0x1  }
0xa1: {  	s23 =	simm.s32 $0x1B8B  }
0xa2: {  	_ =	swait.ge [sflag:s23], $0x1  }
0xa3: {  	[sflag:s23] =	ssyncset.done $0x0  }
0xa4: {  	s25 =	simm.s32 $0x1B8E;
	s24 =	sld [smem:$0x3FFE];
	[sflag:s23] =	ssyncadd.s32 $0xFFFFFFFF  }
0xa5: {  	s26 =	simm.s32 $execute0_lowered;
	[smem:$0x3FD2] =	sst s25  }
0xa6: {  	s5 =	sshll.u32 s26, $0x1;
	_ =	strace $0x80000052;
	[dreg:$0x1] =	wrdreg $0xFFFFFFFF  }
0xa7: {  	s28 =	simm.s32 $_size_execute0_lowered;
	s3 =	sadd.s32 s3, s5;
	[dreg:$0x0] =	wrdreg $0x0  }
0xa8: {  	s5 =	sshll.u32 s28, $0x1;
	[dreg:$0x2] =	wrdreg s3  }
0xa9: {  	[dreg:$0x3] =	wrdreg s5  }
0xaa: {  	[dreg:$0x4] =	wrdreg $0xC0  }
0xab: {  	_ =	task [dreg:s7], $0x5FFFF  }
0xac: {  	[dreg:$0x1] =	wrdreg $0xFFFFFFFF  }
0xad: {  	[dreg:$0x0] =	wrdreg $0x60  }
0xae: {  	[dreg:$0x2] =	wrdreg s24  }
0xaf: {  	[dreg:$0x3] =	wrdreg s2  }
0xb0: {  	[dreg:$0x4] =	wrdreg $0xA0000  }
0xb1: {  	[dreg:$0x5] =	wrdreg $0x9  }
0xb2: {  	_ =	task.clear_ibuf [dreg:s7], $0x6FFFF;
	_ =	strace $0x90000052  }
0xb3: {  	s29 =	simm.s32 $0x9;
	_ =	strace $0x80000054  }
0xb4: {  	_ =	swait.ge [sflag:s29], $0x1  }
0xb5: {  	[sflag:s29] =	ssyncadd.s32 $0xFFFFFFFF  }
0xb6: {  	_ =	strace $0x90000054  }
0xb7: {  	_ =	sfence  }
0xb8: {  	s30 =	sld [smem:$0x0];
	_ =	sdelay $0x2  }
0xb9: {  	s31 =	sshll.u32 s1, $0xD;
	s1 =	sshrl.u32 s1, $0x2  }
0xba: {  	s3 =	sand.u32 $0x4000, s31;
	s1 =	sadd.s32 s1, s30  }
0xbb: {  	s0 =	sor.u32 s3, s0;
	s1 =	sshll.u32 s1, $0x11  }
0xbc: {  	s0 =	sor.u32 s1, s0  }
0xbd: {  	s0 =	sadd.s32 $0x8F2B, s0  }
0xbe: {  	[sflag:s0] =	ssyncadd.remote.s32 $0x1  }
0xbf: {  	_ =	sfence.sel $0xFFFF  }
0xc0: {  	[dreg:$0x0] =	wrdreg $0xFFFFFFFF;
	(pc) =	sbr.abs _section_cstart, $3  }
0xc1: {  	[dreg:$0x1] =	wrdreg $0xFFFFFFFF  }
0xc2: {  	_ =	task.clear_ibuf [dreg:s7], $0x2FFFF;
	_ =	strace $0x9FFFFFFF  }
0xc3: {  	(tm) =	ssettm $0x7FFFFFFF  }
tec
execute0_lowered:
.L_overlay_start_1:
0x0: {  	(tag) =	ssettag $0x1  }
0x1: {  	s6 =	rddreg [dreg:$0x0]  }
0x2: {  	s1 =	srdreg.scid;
	s8 =	rddreg [dreg:$0x1]  }
0x3: {  	s0 =	stileid.u32;
	s2 =	rddreg [dreg:$0x2]  }
0x4: {  	s3 =	simm.s32 $0x0;
	s15 =	simm.s32 $0x6000;
	s16 =	simm.s32 $0x0  }
0x5: {  	s7 =	sand.u32 $0x1, s1;
	s28 =	sshll.u32 s0, $0x1;
	[smem:$0x7FF] =	sst s3  }
0x6: {  	s11 =	smul.u32 $0x13C00, s0;
	s4 =	sadd.s32 $0x12000, s6;
	s5 =	sadd.s32 $0xF800, s6  }
0x7: {  	s14 =	smul.u32 $0x4F000, s0;
	s31 =	sshll.u32 s0, $0x6;
	s1 =	sor.u32 s7, s28  }
0x8: {  	s10 =	smul.u32 $0x13C000, s7;
	s29 =	ssub.s32 $0x2, s7;
	p0 =	seq.s32 s7, $0x0  }
0x9: {  	s7 =	sor.u32 $0x1C01, s31;
	s9 =	smul.u32 $0x600, s1;
	s1 =	rddreg [dreg:$0x3]  }
0xa: {  	_ =	strace $0x80000053;
	s13 =	sshrl.u32 s29, $0x1;
	s30 =	sshrl.u32 s14, $0x2  }
0xb: {  	s10 =	sadd.s32 s11, s10;
	s11 =	ssub.s32 s29, s13;
	s14 =	sadd.s32 s30, s2  }
0xc: {  	s13 =	simm.s32 $0x1;
	s12 =	sadd.s32 s9, s6;
	s10 =	sshrl.u32 s10, $0x3  }
0xd: {  	s8 =	sadd.s32 s8, s9;
	s11 =	smax.u32 s11, $0x1;
	s10 =	sadd.s32 s10, s6  }
0xe: {  	s6 =	simm.s32 $0x5E;
	s9 =	sadd.s32 $0x3800, s12;
	s12 =	sshrl.u32 s14, $0x3  }
0xf: {  	s14 =	simm.s32 $0x80;
	s6 =	simm.s32 @!p0 $0x3F;
	s10 =	sadd.s32 $0x39800, s10  }
.LBB2_1:
0x10: {  	[spmem:s12], [sflag:s7] =	dma.local [hbm:s5], $0x2780  }
0x11: {  	_ =	swait.ge [sflag:s13], $0x2780  }
0x12: {  	[sflag:s13] =	ssyncset.done $0x0  }
0x13: {  	[sflag:s13] =	ssyncadd.s32 $0xFFFFD880  }
0x14: {  	[tilespmem:s3], [sflag:$0x1] =	stream.linear.gather [hbm4b:s8+s3], $0x2F00, $0x38;
	[tilespmem:$0x1DC00] =	vst v63  }
0x15: {  	_ =	swait.ge [sflag:s13], $0x2F00  }
0x16: {  	[sflag:s13] =	ssyncset.done $0x0  }
0x17: {  	s17 =	simm.s32 $0x3000;
	[sflag:s13] =	ssyncadd.s32 $0xFFFFD100  }
0x18: {  	[tilespmem:s17], [sflag:$0x1] =	stream.linear.gather [hbm4b:s9+s3], $0x2F00, $0x38;
	[tilespmem:$0x1DC00] =	vst v63  }
0x19: {  	_ =	swait.ge [sflag:s13], $0x2F00  }
0x1a: {  	[sflag:s13] =	ssyncset.done $0x0  }
0x1b: {  	[sflag:s13] =	ssyncadd.s32 $0xFFFFD100  }
0x1c: {  	[bflag:$0x0] =	sbarrier.arrive $0xFFFF  }
0x1d: {  	[tilespmem:s15], [sflag:$0x1] =	stream.indirect.gather [hbm4b:s4+s14], $0x80, s3, s14, $0xb8;
	[tilespmem:$0x1DC00] =	vst v63  }
0x1e: {  	p0 =	sne.s32 s6, $0x1;
	_ =	swait.ge [sflag:s13], $0x4000  }
.Ltmp0:
0x1f: {  	[sflag:s13] =	ssyncset.done $0x0;
	(pc) =	sbr.rel @!p0 .LBB2_3-.Ltmp0, $4  }
0x20: {  	[sflag:s13] =	ssyncadd.s32 $0xFFFFC000  }
0x21: {  	[spmem:s2] =	stream.indirect.scatter.add.f32 [tilespmem:s15], [sflag:$0x1], $0x80, s17, s14, $0xb8;
	[tilespmem:$0x1DC00] =	vst v63  }
0x22: {  	_ =	swait.ge [sflag:s13], $0x4000  }
0x23: {  	s18 =	sadd.s32 $0xFFFFFFFF, s6;
	s19 =	simm.s32 $0x0;
	[sflag:s13] =	ssyncset.done $0x0  }
.LBB2_2:
0x24: {  	[sflag:s13] =	ssyncadd.s32 $0xFFFFC000;
	s19 =	sadd.s32 $0x80, s19;
	s17 =	sadd.s32 $0x80, s17  }
0x25: {  	[tilespmem:s15], [sflag:$0x1] =	stream.indirect.gather [hbm4b:s4+s14], $0x80, s19, s14, $0xb8;
	[tilespmem:$0x1DC00] =	vst v63  }
0x26: {  	p0 =	sne.s32 s18, $0x1;
	s18 =	sadd.s32 $0xFFFFFFFF, s18;
	_ =	swait.ge [sflag:s13], $0x4000  }
.Ltmp1:
0x27: {  	[sflag:s13] =	ssyncset.done $0x0;
	(pc) =	sbr.rel @p0 .LBB2_2-.Ltmp1, $4  }
0x28: {  	[sflag:s13] =	ssyncadd.s32 $0xFFFFC000  }
0x29: {  	[spmem:s2] =	stream.indirect.scatter.add.f32 [tilespmem:s15], [sflag:$0x1], $0x80, s17, s14, $0xb8;
	[tilespmem:$0x1DC00] =	vst v63  }
0x2a: {  	_ =	swait.ge [sflag:s13], $0x4000  }
0x2b: {  	[sflag:s13] =	ssyncset.done $0x0  }
.LBB2_3:
0x2c: {  	s16 =	sadd.s32 $0x1, s16  }
0x2d: {  	[sflag:s13] =	ssyncadd.s32 $0xFFFFC000;
	p0 =	sne.s32 s16, s11  }
.Ltmp2:
0x2e: {  	[bflag:$0x0] =	sbarrier.arrive $0xFFFF;
	(pc) =	sbr.rel @p0 .LBB2_1-.Ltmp2, $4  }
0x2f: {  	[hbm:s10], [sflag:s7] =	dma.local [spmem:s12], $0x2780  }
0x30: {  	_ =	swait.ge [sflag:s13], $0x2780  }
0x31: {  	[sflag:s13] =	ssyncset.done $0x0  }
0x32: {  	[sflag:s13] =	ssyncadd.s32 $0xFFFFD880  }
0x33: {  	_ =	sfence.sel $0x180000  }
0x34: {  	[bflag:$0x0] =	sbarrier.arrive $0xFFFF  }
0x35: {  	p0 =	sne.s32 s0, $0x0;
	_ =	strace $0x90000053  }
0x36: {  	s0 =	sadd.s32 @!p0 $0x100000, s1;
	[bflag:$0x2] =	sbarrier.arrive $0xFFFF  }
0x37: {  	[sflag:s0] =	ssyncadd.tile.s32 @!p0 $0x1;
	_ =	shalt  }
.Lfunc_end2:
_tile_overlayer_lowered:
.L_overlay_start_2:
0x38: {  	(tag) =	ssettag $0x2  }
0x39: {  	s0 =	rddreg [dreg:$0x0];
	s2 =	stileid.u32  }
0x3a: {  	s1 =	rddreg [dreg:$0x1];
	p0 =	sne.s32 s2, $0x0  }
0x3b: {  	s3 =	rddreg [dreg:$0x2];
	[bflag:$0x3] =	sbarrier.arrive $0xFFFF;
	s2 =	simm.s32 @!p0 $0x1C01  }
0x3c: {  	[timem:s3], [sflag:s2] =	dma.local @!p0 [hbm:s0], s1  }
0x3d: {  	s0 =	simm.s32 @!p0 $0x1  }
0x3e: {  	_ =	swait.ge @!p0 [sflag:s0], s1  }
0x3f: {  	s1 =	ssub.s32 @!p0 $0x0, s1;
	[sflag:s0] =	ssyncset.done @!p0 $0x0  }
0x40: {  	[sflag:s0] =	ssyncadd.s32 @!p0 s1  }
0x41: {  	[bflag:$0x3] =	sbarrier.arrive $0xFFFF  }
0x42: {  	_ =	shalt  }

</sc_bundles>
